<compile_context>
chip_gen: v7x
topology: tpu7x:2x2x1
jax: 0.10.2.dev20260603
libtpu: 0.0.44.dev20260713+nightly
codegen_flags: <defaults>
</compile_context>

<pallas_src>
import functools

import jax
import jax.numpy as jnp
from jax import lax
from jax.experimental import pallas as pl
from jax.experimental.pallas import tpu as pltpu
from jax.experimental.pallas import tpu_sc as plsc

N = 1_000_000
M = 500_000
NW = 32
NR = 16
RCHUNK = 62_496
RLAST = N - (NR - 1) * RCHUNK
RBUF = RLAST
MH = M // 2
W = 10_000
NWIN = MH // W
NPAIR = NWIN // 2
HALF = RBUF // 2
WM = 10_000
NMW = HALF // WM
MTAIL = HALF - NMW * WM
L = 16


def _make_sc_kernel():
    mesh = plsc.VectorSubcoreMesh(core_axis_name="c", subcore_axis_name="s",
                                  num_cores=2, num_subcores=16)

    @functools.partial(
        pl.kernel,
        out_type=jax.ShapeDtypeStruct((N,), jnp.int32),
        mesh=mesh,
        scratch_types=[
            pltpu.VMEM((W,), jnp.int32),
            pltpu.VMEM((W,), jnp.int32),
            pltpu.VMEM((W,), jnp.int32),
            pltpu.VMEM((RBUF,), jnp.int32),
            pltpu.VMEM_SHARED((NR // 2 * RBUF,), jnp.int32),
            pltpu.SemaphoreType.DMA,
            pltpu.SemaphoreType.DMA,
            pltpu.SemaphoreType.DMA,
        ],
        compiler_params=pltpu.CompilerParams(needs_layout_passes=False),
    )
    def scatter_kernel(idx_hbm, out_hbm, win0_v, win1_v, win2_v,
                       out_v, stage_s, sem0, sem1, sem2):
        c = lax.axis_index("c")
        s = lax.axis_index("s")
        pair = s >> 1
        rid = pair * 2 + c
        jhalf = s & 1
        base = rid * RCHUNK
        joff = jhalf * MH
        rng = jnp.where(rid == NR - 1, RLAST, RCHUNK).astype(jnp.uint32)
        lane = lax.iota(jnp.int32, L)
        zeros = jnp.zeros((L,), jnp.int32)

        def wait(win_v, sem):
            pltpu.make_async_copy(idx_hbm.at[pl.ds(0, W)], win_v, sem).wait()

        def process(win_v, jbase):
            @plsc.parallel_loop(0, W // L, unroll=16)
            def _vec(i):
                vidx = win_v[pl.ds(i * L, L)]
                loc = vidx - base
                mask = loc.astype(jnp.uint32) < rng
                jv = (jbase + i * L) + lane
                plsc.store_scatter(out_v, [loc], jv, mask=mask)

        wins = (win0_v, win1_v, win2_v)
        sems = (sem0, sem1, sem2)

        def fetch(w, b):
            pltpu.async_copy(idx_hbm.at[pl.ds(joff + w * W, W)],
                             wins[b], sems[b])

        fetch(0, 0)
        fetch(1, 1)

        @plsc.parallel_loop(0, RBUF // L, unroll=16)
        def _zero(i):
            out_v[pl.ds(i * L, L)] = zeros

        @pl.loop(0, NWIN // 3)
        def _win(t):
            k0 = 3 * t
            for b in range(3):
                k = k0 + b

                @pl.when(k + 2 < NWIN)
                def _pf():
                    fetch(k + 2, (b + 2) % 3)

                wait(wins[b], sems[b])
                process(wins[b], joff + k * W)

        wait(wins[(NWIN - 1) % 3], sems[(NWIN - 1) % 3])
        process(wins[(NWIN - 1) % 3], joff + (NWIN - 1) * W)

        plsc.subcore_barrier()

        slot = pl.multiple_of(pair * RBUF, 8)
        my_off = pl.multiple_of(jhalf * HALF, 8)
        st_off = pl.multiple_of((1 - jhalf) * HALF, 8)

        pltpu.sync_copy(out_v.at[pl.ds(st_off, HALF)],
                        stage_s.at[pl.ds(pl.multiple_of(slot + st_off, 8),
                                         HALF)])
        plsc.subcore_barrier()

        def merge_window(off, nvec, buf):
            @plsc.parallel_loop(0, nvec, unroll=8)
            def _m(i):
                a = out_v[pl.ds(off + i * L, L)]
                b = buf[pl.ds(i * L, L)]
                out_v[pl.ds(off + i * L, L)] = jnp.maximum(a, b)

        bufs = (win0_v, win1_v)
        msems = (sem0, sem1)

        def stage_src(w, size):
            return stage_s.at[pl.ds(pl.multiple_of(slot + my_off + w * WM, 8),
                                    size)]

        def msize(w):
            return WM if w < NMW else MTAIL

        pltpu.async_copy(stage_src(0, WM), bufs[0], msems[0])
        for w in range(NMW + 1):
            if w + 1 <= NMW:
                b = bufs[(w + 1) % 2]
                pltpu.async_copy(stage_src(w + 1, msize(w + 1)),
                                 b.at[pl.ds(0, msize(w + 1))],
                                 msems[(w + 1) % 2])
            b = bufs[w % 2]
            pltpu.make_async_copy(stage_src(w, msize(w)),
                                  b.at[pl.ds(0, msize(w))],
                                  msems[w % 2]).wait()
            merge_window(my_off + w * WM, msize(w) // L, b)

        @pl.when(jhalf == 0)
        def _store_lo():
            pltpu.sync_copy(out_v.at[pl.ds(0, HALF)],
                            out_hbm.at[pl.ds(base, HALF)])

        @pl.when(jnp.logical_and(jhalf == 1, rid == NR - 1))
        def _store_hi_last():
            pltpu.sync_copy(out_v.at[pl.ds(HALF, RLAST - HALF)],
                            out_hbm.at[pl.ds(base + HALF, RLAST - HALF)])

        @pl.when(jnp.logical_and(jhalf == 1, rid != NR - 1))
        def _store_hi():
            pltpu.sync_copy(out_v.at[pl.ds(HALF, RCHUNK - HALF)],
                            out_hbm.at[pl.ds(base + HALF, RCHUNK - HALF)])

    return scatter_kernel


_sc_kernel = _make_sc_kernel()


def kernel(X, row_missing_idx):
    del X
    return _sc_kernel(row_missing_idx)

# --- scband reference (transcript-rebuilt; emitter-appended) ---
"""Pipeline reference for scband-make-dict-idx-map-25443386261853 (READ-ONLY COPY).

The authoritative reference and input builder live on the scoring server;
editing this copy changes nothing except your own understanding.
"""

import jax, jax.numpy as jnp
import numpy as np


def setup_inputs(seed: int = 0) -> dict:
    key = jax.random.key(seed)
    k1, k2 = jax.random.split(key)
    X = jax.random.normal(k1, (1000000, 16), dtype=jnp.float32)
    row_missing_idx = jax.random.randint(k2, (500000,), 0, 1000000, dtype=jnp.int32)
    return {"X": X, "row_missing_idx": row_missing_idx}


def reference(X, row_missing_idx):
    # torch: dist_idx_map = torch.zeros(X.shape[0], dtype=int)
    #        dist_idx_map[row_missing_idx] = torch.arange(row_missing_idx.shape[0])
    N = X.shape[0]
    M = row_missing_idx.shape[0]
    dist_idx_map = jnp.zeros((N,), dtype=jnp.int32)
    dist_idx_map = dist_idx_map.at[row_missing_idx].set(jnp.arange(M, dtype=jnp.int32))
    return dist_idx_map

if __name__ == "__main__":
    import jax
    _d = setup_inputs()
    print(jax.jit(kernel)(*tuple(_d.values())))

</pallas_src>

<mosaic_0001>
#map = affine_map<(d0, d1) -> (0)>
module attributes {stable_mosaic.version = 14 : i64} {
  func.func @scatter_kernel(%arg0: i32, %arg1: i32, %arg2: memref<500000xi32, #tpu.memory_space<hbm>>, %arg3: memref<1000000xi32, #tpu.memory_space<hbm>>, %arg4: memref<10000xi32, #tpu.memory_space<vmem>>, %arg5: memref<10000xi32, #tpu.memory_space<vmem>>, %arg6: memref<10000xi32, #tpu.memory_space<vmem>>, %arg7: memref<62560xi32, #tpu.memory_space<vmem>>, %arg8: memref<500480xi32, #tpu.memory_space<vmem_shared>>, %arg9: memref<!tpu.dma_semaphore, #tpu.memory_space<semaphore_mem>>, %arg10: memref<!tpu.dma_semaphore, #tpu.memory_space<semaphore_mem>>, %arg11: memref<!tpu.dma_semaphore, #tpu.memory_space<semaphore_mem>>) attributes {dimension_semantics = [#tpu.dimension_semantics<core_parallel>, #tpu.dimension_semantics<subcore_parallel>], iteration_bounds = array<i64: 2, 16>, scalar_prefetch = 0 : i64, scratch_operands = 8 : i64, tpu.core_type = #tpu.core_type<sc_vector_subcore>, window_params = [{transform_indices = #map}, {transform_indices = #map}]} {
    %shift_right_arithmetic3A = arith.constant 1 : i32
    %shift_right_arithmetic3A_0 = arith.shrsi %arg1, %shift_right_arithmetic3A : i32
    %mul3A = arith.constant 2 : i32
    %mul3A_1 = arith.muli %shift_right_arithmetic3A_0, %mul3A : i32
    %add3A = arith.addi %mul3A_1, %arg0 : i32
    %and3A = arith.constant 1 : i32
    %and3A_2 = arith.andi %arg1, %and3A : i32
    %mul3A_3 = arith.constant 62496 : i32
    %mul3A_4 = arith.muli %add3A, %mul3A_3 : i32
    %mul3A_5 = arith.constant 250000 : i32
    %mul3A_6 = arith.muli %and3A_2, %mul3A_5 : i32
    %eq3A = arith.constant 15 : i32
    %eq3A_7 = arith.cmpi eq, %add3A, %eq3A : i32
    %jit3A = arith.constant 62560 : i32
    %jit3A_8 = arith.constant 62496 : i32
    %select_n3A = arith.select %eq3A_7, %jit3A, %jit3A_8 : i32
    %iota3A = tpu.iota {dimensions = array<i32: 0>} : vector<16xi32>
    %broadcast_in_dim3A = arith.constant 0 : i32
    %broadcast_in_dim3A_9 = vector.broadcast %broadcast_in_dim3A : i32 to vector<16xi32>
    %add3A_10 = arith.constant 0 : i32
    %add3A_11 = arith.addi %mul3A_6, %add3A_10 : i32
    %dma_start3A = tpu.memref_slice %arg2[%add3A_11] : memref<500000xi32, #tpu.memory_space<hbm>> -> memref<10000xi32, #tpu.memory_space<hbm>>
    %dma_start3A_12 = tpu.memref_slice %arg2[%add3A_11] : memref<500000xi32, #tpu.memory_space<hbm>> -> memref<10000xi32, #tpu.memory_space<hbm>>
    tpu.enqueue_dma source(%dma_start3A_12 : memref<10000xi32, #tpu.memory_space<hbm>>) target(%arg4 : memref<10000xi32, #tpu.memory_space<vmem>>) target_semaphore(%arg9 : memref<!tpu.dma_semaphore, #tpu.memory_space<semaphore_mem>>)
    %add3A_13 = arith.constant 10000 : i32
    %add3A_14 = arith.addi %mul3A_6, %add3A_13 : i32
    %dma_start3A_15 = tpu.memref_slice %arg2[%add3A_14] : memref<500000xi32, #tpu.memory_space<hbm>> -> memref<10000xi32, #tpu.memory_space<hbm>>
    %dma_start3A_16 = tpu.memref_slice %arg2[%add3A_14] : memref<500000xi32, #tpu.memory_space<hbm>> -> memref<10000xi32, #tpu.memory_space<hbm>>
    tpu.enqueue_dma source(%dma_start3A_16 : memref<10000xi32, #tpu.memory_space<hbm>>) target(%arg5 : memref<10000xi32, #tpu.memory_space<vmem>>) target_semaphore(%arg10 : memref<!tpu.dma_semaphore, #tpu.memory_space<semaphore_mem>>)
    %parallel_loop3A = arith.constant 0 : i32
    %parallel_loop3A_17 = arith.constant 3910 : i32
    %parallel_loop3A_18 = arith.constant 1 : i32
    scf.for %parallel_loop3A_157 = %parallel_loop3A to %parallel_loop3A_17 step %parallel_loop3A_18  : i32 {
      %parallel_loop3A_158 = arith.constant 16 : i32
      %parallel_loop3A_159 = arith.muli %parallel_loop3A_157, %parallel_loop3A_158 : i32
      %parallel_loop3A_160 = arith.index_cast %parallel_loop3A_159 : i32 to index
      %parallel_loop3A_161 = tpu.vector_load %arg7[%parallel_loop3A_160] {strides = array<i32>} : memref<62560xi32, #tpu.memory_space<vmem>>, vector<16xi32>,
      tpu.vector_store %arg7[%parallel_loop3A_160], %broadcast_in_dim3A_9 {strides = array<i32>} : memref<62560xi32, #tpu.memory_space<vmem>>, vector<16xi32>,
    } {sc.loop_unroll_factor = 16 : i64, sc.parallel_access}
    %scan3A = arith.constant 0 : i32
    %scan3A_19 = arith.constant 8 : i32
    %scan3A_20 = arith.addi %scan3A, %scan3A_19 : i32
    %scan3A_21 = arith.constant 1 : i32
    scf.for %scan3A_157 = %scan3A to %scan3A_20 step %scan3A_21  : i32 {
      %mul3A_158 = arith.constant 1 : i32
      %mul3A_159 = arith.muli %scan3A_157, %mul3A_158 : i32
      %add3A_160 = arith.constant 0 : i32
      %add3A_161 = arith.addi %add3A_160, %mul3A_159 : i32
      %mul3A_162 = arith.constant 3 : i32
      %mul3A_163 = arith.muli %mul3A_162, %add3A_161 : i32
      %add3A_164 = arith.constant 0 : i32
      %add3A_165 = arith.addi %mul3A_163, %add3A_164 : i32
      %add3A_166 = arith.constant 2 : i32
      %add3A_167 = arith.addi %add3A_165, %add3A_166 : i32
      %lt3A = arith.constant 25 : i32
      %lt3A_168 = arith.cmpi slt, %add3A_167, %lt3A : i32
      %convert_element_type3A_169 = arith.extui %lt3A_168 : i1 to i32
      %cond3A_170 = arith.constant 0 : i32
      %cond3A_171 = arith.cmpi ne, %convert_element_type3A_169, %cond3A_170 : i32
      scf.if %cond3A_171 {
        %add3A_220 = arith.constant 2 : i32
        %add3A_221 = arith.addi %add3A_165, %add3A_220 : i32
        %mul3A_222 = arith.constant 10000 : i32
        %mul3A_223 = arith.muli %add3A_221, %mul3A_222 : i32
        %add3A_224 = arith.addi %mul3A_6, %mul3A_223 : i32
        %dma_start3A_225 = tpu.memref_slice %arg2[%add3A_224] : memref<500000xi32, #tpu.memory_space<hbm>> -> memref<10000xi32, #tpu.memory_space<hbm>>
        %dma_start3A_226 = tpu.memref_slice %arg2[%add3A_224] : memref<500000xi32, #tpu.memory_space<hbm>> -> memref<10000xi32, #tpu.memory_space<hbm>>
        tpu.enqueue_dma source(%dma_start3A_226 : memref<10000xi32, #tpu.memory_space<hbm>>) target(%arg6 : memref<10000xi32, #tpu.memory_space<vmem>>) target_semaphore(%arg11 : memref<!tpu.dma_semaphore, #tpu.memory_space<semaphore_mem>>)
      } else {
      }
      %dma_wait3A_172 = arith.constant 0 : i32
      %dma_wait3A_173 = tpu.memref_slice %arg2[%dma_wait3A_172] : memref<500000xi32, #tpu.memory_space<hbm>> -> memref<10000xi32, #tpu.memory_space<hbm>>
      %dma_wait3A_174 = arith.constant 0 : i32
      %dma_wait3A_175 = tpu.memref_slice %arg2[%dma_wait3A_174] : memref<500000xi32, #tpu.memory_space<hbm>> -> memref<10000xi32, #tpu.memory_space<hbm>>
      tpu.wait_dma2 semaphore(%arg9 : memref<!tpu.dma_semaphore, #tpu.memory_space<semaphore_mem>>) src(%dma_wait3A_175 : memref<10000xi32, #tpu.memory_space<hbm>>) dst(%arg4 : memref<10000xi32, #tpu.memory_space<vmem>>)
      %mul3A_176 = arith.constant 10000 : i32
      %mul3A_177 = arith.muli %add3A_165, %mul3A_176 : i32
      %add3A_178 = arith.addi %mul3A_6, %mul3A_177 : i32
      %parallel_loop3A_179 = arith.constant 0 : i32
      %parallel_loop3A_180 = arith.constant 625 : i32
      %parallel_loop3A_181 = arith.constant 1 : i32
      scf.for %parallel_loop3A_220 = %parallel_loop3A_179 to %parallel_loop3A_180 step %parallel_loop3A_181  : i32 {
        %parallel_loop3A_221 = arith.constant 16 : i32
        %parallel_loop3A_222 = arith.muli %parallel_loop3A_220, %parallel_loop3A_221 : i32
        %parallel_loop3A_223 = arith.index_cast %parallel_loop3A_222 : i32 to index
        %parallel_loop3A_224 = tpu.vector_load %arg4[%parallel_loop3A_223] {strides = array<i32>} : memref<10000xi32, #tpu.memory_space<vmem>>, vector<16xi32>,
        %parallel_loop3A_225 = vector.broadcast %mul3A_4 : i32 to vector<16xi32>
        %parallel_loop3A_226 = arith.subi %parallel_loop3A_224, %parallel_loop3A_225 : vector<16xi32>
        %parallel_loop3A_227 = vector.broadcast %select_n3A : i32 to vector<16xi32>
        %parallel_loop3A_228 = arith.cmpi ult, %parallel_loop3A_226, %parallel_loop3A_227 : vector<16xi32>
        %parallel_loop3A_229 = arith.constant 16 : i32
        %parallel_loop3A_230 = arith.muli %parallel_loop3A_220, %parallel_loop3A_229 : i32
        %parallel_loop3A_231 = arith.addi %add3A_178, %parallel_loop3A_230 : i32
        %parallel_loop3A_232 = vector.broadcast %parallel_loop3A_231 : i32 to vector<16xi32>
        %parallel_loop3A_233 = arith.addi %parallel_loop3A_232, %iota3A : vector<16xi32>
        tpu.vector_store_idx %arg7[%parallel_loop3A_226], %parallel_loop3A_233 masked %parallel_loop3A_228 : memref<62560xi32, #tpu.memory_space<vmem>>[vector<16xi32>], vector<16xi32>, vector<16xi1>
      } {sc.loop_unroll_factor = 16 : i64, sc.parallel_access}
      %add3A_182 = arith.constant 1 : i32
      %add3A_183 = arith.addi %mul3A_163, %add3A_182 : i32
      %add3A_184 = arith.constant 2 : i32
      %add3A_185 = arith.addi %add3A_183, %add3A_184 : i32
      %lt3A_186 = arith.constant 25 : i32
      %lt3A_187 = arith.cmpi slt, %add3A_185, %lt3A_186 : i32
      %convert_element_type3A_188 = arith.extui %lt3A_187 : i1 to i32
      %cond3A_189 = arith.constant 0 : i32
      %cond3A_190 = arith.cmpi ne, %convert_element_type3A_188, %cond3A_189 : i32
      scf.if %cond3A_190 {
        %add3A_220 = arith.constant 2 : i32
        %add3A_221 = arith.addi %add3A_183, %add3A_220 : i32
        %mul3A_222 = arith.constant 10000 : i32
        %mul3A_223 = arith.muli %add3A_221, %mul3A_222 : i32
        %add3A_224 = arith.addi %mul3A_6, %mul3A_223 : i32
        %dma_start3A_225 = tpu.memref_slice %arg2[%add3A_224] : memref<500000xi32, #tpu.memory_space<hbm>> -> memref<10000xi32, #tpu.memory_space<hbm>>
        %dma_start3A_226 = tpu.memref_slice %arg2[%add3A_224] : memref<500000xi32, #tpu.memory_space<hbm>> -> memref<10000xi32, #tpu.memory_space<hbm>>
        tpu.enqueue_dma source(%dma_start3A_226 : memref<10000xi32, #tpu.memory_space<hbm>>) target(%arg4 : memref<10000xi32, #tpu.memory_space<vmem>>) target_semaphore(%arg9 : memref<!tpu.dma_semaphore, #tpu.memory_space<semaphore_mem>>)
      } else {
      }
      %dma_wait3A_191 = arith.constant 0 : i32
      %dma_wait3A_192 = tpu.memref_slice %arg2[%dma_wait3A_191] : memref<500000xi32, #tpu.memory_space<hbm>> -> memref<10000xi32, #tpu.memory_space<hbm>>
      %dma_wait3A_193 = arith.constant 0 : i32
      %dma_wait3A_194 = tpu.memref_slice %arg2[%dma_wait3A_193] : memref<500000xi32, #tpu.memory_space<hbm>> -> memref<10000xi32, #tpu.memory_space<hbm>>
      tpu.wait_dma2 semaphore(%arg10 : memref<!tpu.dma_semaphore, #tpu.memory_space<semaphore_mem>>) src(%dma_wait3A_194 : memref<10000xi32, #tpu.memory_space<hbm>>) dst(%arg5 : memref<10000xi32, #tpu.memory_space<vmem>>)
      %mul3A_195 = arith.constant 10000 : i32
      %mul3A_196 = arith.muli %add3A_183, %mul3A_195 : i32
      %add3A_197 = arith.addi %mul3A_6, %mul3A_196 : i32
      %parallel_loop3A_198 = arith.constant 0 : i32
      %parallel_loop3A_199 = arith.constant 625 : i32
      %parallel_loop3A_200 = arith.constant 1 : i32
      scf.for %parallel_loop3A_220 = %parallel_loop3A_198 to %parallel_loop3A_199 step %parallel_loop3A_200  : i32 {
        %parallel_loop3A_221 = arith.constant 16 : i32
        %parallel_loop3A_222 = arith.muli %parallel_loop3A_220, %parallel_loop3A_221 : i32
        %parallel_loop3A_223 = arith.index_cast %parallel_loop3A_222 : i32 to index
        %parallel_loop3A_224 = tpu.vector_load %arg5[%parallel_loop3A_223] {strides = array<i32>} : memref<10000xi32, #tpu.memory_space<vmem>>, vector<16xi32>,
        %parallel_loop3A_225 = vector.broadcast %mul3A_4 : i32 to vector<16xi32>
        %parallel_loop3A_226 = arith.subi %parallel_loop3A_224, %parallel_loop3A_225 : vector<16xi32>
        %parallel_loop3A_227 = vector.broadcast %select_n3A : i32 to vector<16xi32>
        %parallel_loop3A_228 = arith.cmpi ult, %parallel_loop3A_226, %parallel_loop3A_227 : vector<16xi32>
        %parallel_loop3A_229 = arith.constant 16 : i32
        %parallel_loop3A_230 = arith.muli %parallel_loop3A_220, %parallel_loop3A_229 : i32
        %parallel_loop3A_231 = arith.addi %add3A_197, %parallel_loop3A_230 : i32
        %parallel_loop3A_232 = vector.broadcast %parallel_loop3A_231 : i32 to vector<16xi32>
        %parallel_loop3A_233 = arith.addi %parallel_loop3A_232, %iota3A : vector<16xi32>
        tpu.vector_store_idx %arg7[%parallel_loop3A_226], %parallel_loop3A_233 masked %parallel_loop3A_228 : memref<62560xi32, #tpu.memory_space<vmem>>[vector<16xi32>], vector<16xi32>, vector<16xi1>
      } {sc.loop_unroll_factor = 16 : i64, sc.parallel_access}
      %add3A_201 = arith.constant 2 : i32
      %add3A_202 = arith.addi %mul3A_163, %add3A_201 : i32
      %add3A_203 = arith.constant 2 : i32
      %add3A_204 = arith.addi %add3A_202, %add3A_203 : i32
      %lt3A_205 = arith.constant 25 : i32
      %lt3A_206 = arith.cmpi slt, %add3A_204, %lt3A_205 : i32
      %convert_element_type3A_207 = arith.extui %lt3A_206 : i1 to i32
      %cond3A_208 = arith.constant 0 : i32
      %cond3A_209 = arith.cmpi ne, %convert_element_type3A_207, %cond3A_208 : i32
      scf.if %cond3A_209 {
        %add3A_220 = arith.constant 2 : i32
        %add3A_221 = arith.addi %add3A_202, %add3A_220 : i32
        %mul3A_222 = arith.constant 10000 : i32
        %mul3A_223 = arith.muli %add3A_221, %mul3A_222 : i32
        %add3A_224 = arith.addi %mul3A_6, %mul3A_223 : i32
        %dma_start3A_225 = tpu.memref_slice %arg2[%add3A_224] : memref<500000xi32, #tpu.memory_space<hbm>> -> memref<10000xi32, #tpu.memory_space<hbm>>
        %dma_start3A_226 = tpu.memref_slice %arg2[%add3A_224] : memref<500000xi32, #tpu.memory_space<hbm>> -> memref<10000xi32, #tpu.memory_space<hbm>>
        tpu.enqueue_dma source(%dma_start3A_226 : memref<10000xi32, #tpu.memory_space<hbm>>) target(%arg5 : memref<10000xi32, #tpu.memory_space<vmem>>) target_semaphore(%arg10 : memref<!tpu.dma_semaphore, #tpu.memory_space<semaphore_mem>>)
      } else {
      }
      %dma_wait3A_210 = arith.constant 0 : i32
      %dma_wait3A_211 = tpu.memref_slice %arg2[%dma_wait3A_210] : memref<500000xi32, #tpu.memory_space<hbm>> -> memref<10000xi32, #tpu.memory_space<hbm>>
      %dma_wait3A_212 = arith.constant 0 : i32
      %dma_wait3A_213 = tpu.memref_slice %arg2[%dma_wait3A_212] : memref<500000xi32, #tpu.memory_space<hbm>> -> memref<10000xi32, #tpu.memory_space<hbm>>
      tpu.wait_dma2 semaphore(%arg11 : memref<!tpu.dma_semaphore, #tpu.memory_space<semaphore_mem>>) src(%dma_wait3A_213 : memref<10000xi32, #tpu.memory_space<hbm>>) dst(%arg6 : memref<10000xi32, #tpu.memory_space<vmem>>)
      %mul3A_214 = arith.constant 10000 : i32
      %mul3A_215 = arith.muli %add3A_202, %mul3A_214 : i32
      %add3A_216 = arith.addi %mul3A_6, %mul3A_215 : i32
      %parallel_loop3A_217 = arith.constant 0 : i32
      %parallel_loop3A_218 = arith.constant 625 : i32
      %parallel_loop3A_219 = arith.constant 1 : i32
      scf.for %parallel_loop3A_220 = %parallel_loop3A_217 to %parallel_loop3A_218 step %parallel_loop3A_219  : i32 {
        %parallel_loop3A_221 = arith.constant 16 : i32
        %parallel_loop3A_222 = arith.muli %parallel_loop3A_220, %parallel_loop3A_221 : i32
        %parallel_loop3A_223 = arith.index_cast %parallel_loop3A_222 : i32 to index
        %parallel_loop3A_224 = tpu.vector_load %arg6[%parallel_loop3A_223] {strides = array<i32>} : memref<10000xi32, #tpu.memory_space<vmem>>, vector<16xi32>,
        %parallel_loop3A_225 = vector.broadcast %mul3A_4 : i32 to vector<16xi32>
        %parallel_loop3A_226 = arith.subi %parallel_loop3A_224, %parallel_loop3A_225 : vector<16xi32>
        %parallel_loop3A_227 = vector.broadcast %select_n3A : i32 to vector<16xi32>
        %parallel_loop3A_228 = arith.cmpi ult, %parallel_loop3A_226, %parallel_loop3A_227 : vector<16xi32>
        %parallel_loop3A_229 = arith.constant 16 : i32
        %parallel_loop3A_230 = arith.muli %parallel_loop3A_220, %parallel_loop3A_229 : i32
        %parallel_loop3A_231 = arith.addi %add3A_216, %parallel_loop3A_230 : i32
        %parallel_loop3A_232 = vector.broadcast %parallel_loop3A_231 : i32 to vector<16xi32>
        %parallel_loop3A_233 = arith.addi %parallel_loop3A_232, %iota3A : vector<16xi32>
        tpu.vector_store_idx %arg7[%parallel_loop3A_226], %parallel_loop3A_233 masked %parallel_loop3A_228 : memref<62560xi32, #tpu.memory_space<vmem>>[vector<16xi32>], vector<16xi32>, vector<16xi1>
      } {sc.loop_unroll_factor = 16 : i64, sc.parallel_access}
    }
    %scan3A_22 = arith.constant 8 : i32
    %dma_wait3A = arith.constant 0 : i32
    %dma_wait3A_23 = tpu.memref_slice %arg2[%dma_wait3A] : memref<500000xi32, #tpu.memory_space<hbm>> -> memref<10000xi32, #tpu.memory_space<hbm>>
    %dma_wait3A_24 = arith.constant 0 : i32
    %dma_wait3A_25 = tpu.memref_slice %arg2[%dma_wait3A_24] : memref<500000xi32, #tpu.memory_space<hbm>> -> memref<10000xi32, #tpu.memory_space<hbm>>
    tpu.wait_dma2 semaphore(%arg9 : memref<!tpu.dma_semaphore, #tpu.memory_space<semaphore_mem>>) src(%dma_wait3A_25 : memref<10000xi32, #tpu.memory_space<hbm>>) dst(%arg4 : memref<10000xi32, #tpu.memory_space<vmem>>)
    %add3A_26 = arith.constant 240000 : i32
    %add3A_27 = arith.addi %mul3A_6, %add3A_26 : i32
    %parallel_loop3A_28 = arith.constant 0 : i32
    %parallel_loop3A_29 = arith.constant 625 : i32
    %parallel_loop3A_30 = arith.constant 1 : i32
    scf.for %parallel_loop3A_157 = %parallel_loop3A_28 to %parallel_loop3A_29 step %parallel_loop3A_30  : i32 {
      %parallel_loop3A_158 = arith.constant 16 : i32
      %parallel_loop3A_159 = arith.muli %parallel_loop3A_157, %parallel_loop3A_158 : i32
      %parallel_loop3A_160 = arith.index_cast %parallel_loop3A_159 : i32 to index
      %parallel_loop3A_161 = tpu.vector_load %arg4[%parallel_loop3A_160] {strides = array<i32>} : memref<10000xi32, #tpu.memory_space<vmem>>, vector<16xi32>,
      %parallel_loop3A_162 = vector.broadcast %mul3A_4 : i32 to vector<16xi32>
      %parallel_loop3A_163 = arith.subi %parallel_loop3A_161, %parallel_loop3A_162 : vector<16xi32>
      %parallel_loop3A_164 = vector.broadcast %select_n3A : i32 to vector<16xi32>
      %parallel_loop3A_165 = arith.cmpi ult, %parallel_loop3A_163, %parallel_loop3A_164 : vector<16xi32>
      %parallel_loop3A_166 = arith.constant 16 : i32
      %parallel_loop3A_167 = arith.muli %parallel_loop3A_157, %parallel_loop3A_166 : i32
      %parallel_loop3A_168 = arith.addi %add3A_27, %parallel_loop3A_167 : i32
      %parallel_loop3A_169 = vector.broadcast %parallel_loop3A_168 : i32 to vector<16xi32>
      %parallel_loop3A_170 = arith.addi %parallel_loop3A_169, %iota3A : vector<16xi32>
      tpu.vector_store_idx %arg7[%parallel_loop3A_163], %parallel_loop3A_170 masked %parallel_loop3A_165 : memref<62560xi32, #tpu.memory_space<vmem>>[vector<16xi32>], vector<16xi32>, vector<16xi1>
    } {sc.loop_unroll_factor = 16 : i64, sc.parallel_access}
    %barrier3A = arith.constant 0 : index
    tpu.barrier barrier_id(%barrier3A)
    %mul3A_31 = arith.constant 62560 : i32
    %mul3A_32 = arith.muli %shift_right_arithmetic3A_0, %mul3A_31 : i32
    %multiple_of3A = tpu.assume_multiple %mul3A_32, 8 : i32
    %mul3A_33 = arith.constant 31280 : i32
    %mul3A_34 = arith.muli %and3A_2, %mul3A_33 : i32
    %multiple_of3A_35 = tpu.assume_multiple %mul3A_34, 8 : i32
    %sub3A = arith.constant 1 : i32
    %sub3A_36 = arith.subi %sub3A, %and3A_2 : i32
    %mul3A_37 = arith.constant 31280 : i32
    %mul3A_38 = arith.muli %sub3A_36, %mul3A_37 : i32
    %multiple_of3A_39 = tpu.assume_multiple %mul3A_38, 8 : i32
    %add3A_40 = arith.addi %multiple_of3A, %multiple_of3A_39 : i32
    %multiple_of3A_41 = tpu.assume_multiple %add3A_40, 8 : i32
    "tpu.region"() ({
      %run_scoped3A = tpu.sem_alloc : memref<!tpu.dma_semaphore, #tpu.memory_space<semaphore_mem>>
      %dma_start3A_157 = tpu.memref_slice %arg7[%multiple_of3A_39] : memref<62560xi32, #tpu.memory_space<vmem>> -> memref<31280xi32, #tpu.memory_space<vmem>>
      %dma_start3A_158 = tpu.memref_slice %arg8[%multiple_of3A_41] : memref<500480xi32, #tpu.memory_space<vmem_shared>> -> memref<31280xi32, #tpu.memory_space<vmem_shared>>
      %dma_start3A_159 = tpu.memref_slice %arg8[%multiple_of3A_41] : memref<500480xi32, #tpu.memory_space<vmem_shared>> -> memref<31280xi32, #tpu.memory_space<vmem_shared>>
      %dma_start3A_160 = tpu.memref_slice %arg7[%multiple_of3A_39] : memref<62560xi32, #tpu.memory_space<vmem>> -> memref<31280xi32, #tpu.memory_space<vmem>>
      tpu.enqueue_dma source(%dma_start3A_160 : memref<31280xi32, #tpu.memory_space<vmem>>) target(%dma_start3A_159 : memref<31280xi32, #tpu.memory_space<vmem_shared>>) target_semaphore(%run_scoped3A : memref<!tpu.dma_semaphore, #tpu.memory_space<semaphore_mem>>)
      %dma_wait3A_161 = tpu.memref_slice %arg7[%multiple_of3A_39] : memref<62560xi32, #tpu.memory_space<vmem>> -> memref<31280xi32, #tpu.memory_space<vmem>>
      %dma_wait3A_162 = tpu.memref_slice %arg8[%multiple_of3A_41] : memref<500480xi32, #tpu.memory_space<vmem_shared>> -> memref<31280xi32, #tpu.memory_space<vmem_shared>>
      %dma_wait3A_163 = tpu.memref_slice %arg8[%multiple_of3A_41] : memref<500480xi32, #tpu.memory_space<vmem_shared>> -> memref<31280xi32, #tpu.memory_space<vmem_shared>>
      %dma_wait3A_164 = tpu.memref_slice %arg7[%multiple_of3A_39] : memref<62560xi32, #tpu.memory_space<vmem>> -> memref<31280xi32, #tpu.memory_space<vmem>>
      tpu.wait_dma2 semaphore(%run_scoped3A : memref<!tpu.dma_semaphore, #tpu.memory_space<semaphore_mem>>) src(%dma_wait3A_164 : memref<31280xi32, #tpu.memory_space<vmem>>) dst(%dma_wait3A_163 : memref<31280xi32, #tpu.memory_space<vmem_shared>>)
      tpu.yield
    }) : () -> ()
    %barrier3A_42 = arith.constant 0 : index
    tpu.barrier barrier_id(%barrier3A_42)
    %add3A_43 = arith.addi %multiple_of3A, %multiple_of3A_35 : i32
    %add3A_44 = arith.constant 0 : i32
    %add3A_45 = arith.addi %add3A_43, %add3A_44 : i32
    %multiple_of3A_46 = tpu.assume_multiple %add3A_45, 8 : i32
    %dma_start3A_47 = tpu.memref_slice %arg8[%multiple_of3A_46] : memref<500480xi32, #tpu.memory_space<vmem_shared>> -> memref<10000xi32, #tpu.memory_space<vmem_shared>>
    %dma_start3A_48 = tpu.memref_slice %arg8[%multiple_of3A_46] : memref<500480xi32, #tpu.memory_space<vmem_shared>> -> memref<10000xi32, #tpu.memory_space<vmem_shared>>
    tpu.enqueue_dma source(%dma_start3A_48 : memref<10000xi32, #tpu.memory_space<vmem_shared>>) target(%arg4 : memref<10000xi32, #tpu.memory_space<vmem>>) target_semaphore(%arg9 : memref<!tpu.dma_semaphore, #tpu.memory_space<semaphore_mem>>)
    %add3A_49 = arith.addi %multiple_of3A, %multiple_of3A_35 : i32
    %add3A_50 = arith.constant 10000 : i32
    %add3A_51 = arith.addi %add3A_49, %add3A_50 : i32
    %multiple_of3A_52 = tpu.assume_multiple %add3A_51, 8 : i32
    %dma_start3A_53 = arith.constant 0 : i32
    %dma_start3A_54 = tpu.memref_slice %arg5[%dma_start3A_53] : memref<10000xi32, #tpu.memory_space<vmem>> -> memref<10000xi32, #tpu.memory_space<vmem>>
    %dma_start3A_55 = tpu.memref_slice %arg8[%multiple_of3A_52] : memref<500480xi32, #tpu.memory_space<vmem_shared>> -> memref<10000xi32, #tpu.memory_space<vmem_shared>>
    %dma_start3A_56 = arith.constant 0 : i32
    %dma_start3A_57 = tpu.memref_slice %arg5[%dma_start3A_56] : memref<10000xi32, #tpu.memory_space<vmem>> -> memref<10000xi32, #tpu.memory_space<vmem>>
    %dma_start3A_58 = tpu.memref_slice %arg8[%multiple_of3A_52] : memref<500480xi32, #tpu.memory_space<vmem_shared>> -> memref<10000xi32, #tpu.memory_space<vmem_shared>>
    tpu.enqueue_dma source(%dma_start3A_58 : memref<10000xi32, #tpu.memory_space<vmem_shared>>) target(%dma_start3A_57 : memref<10000xi32, #tpu.memory_space<vmem>>) target_semaphore(%arg10 : memref<!tpu.dma_semaphore, #tpu.memory_space<semaphore_mem>>)
    %add3A_59 = arith.addi %multiple_of3A, %multiple_of3A_35 : i32
    %add3A_60 = arith.constant 0 : i32
    %add3A_61 = arith.addi %add3A_59, %add3A_60 : i32
    %multiple_of3A_62 = tpu.assume_multiple %add3A_61, 8 : i32
    %dma_wait3A_63 = arith.constant 0 : i32
    %dma_wait3A_64 = tpu.memref_slice %arg4[%dma_wait3A_63] : memref<10000xi32, #tpu.memory_space<vmem>> -> memref<10000xi32, #tpu.memory_space<vmem>>
    %dma_wait3A_65 = tpu.memref_slice %arg8[%multiple_of3A_62] : memref<500480xi32, #tpu.memory_space<vmem_shared>> -> memref<10000xi32, #tpu.memory_space<vmem_shared>>
    %dma_wait3A_66 = arith.constant 0 : i32
    %dma_wait3A_67 = tpu.memref_slice %arg4[%dma_wait3A_66] : memref<10000xi32, #tpu.memory_space<vmem>> -> memref<10000xi32, #tpu.memory_space<vmem>>
    %dma_wait3A_68 = tpu.memref_slice %arg8[%multiple_of3A_62] : memref<500480xi32, #tpu.memory_space<vmem_shared>> -> memref<10000xi32, #tpu.memory_space<vmem_shared>>
    tpu.wait_dma2 semaphore(%arg9 : memref<!tpu.dma_semaphore, #tpu.memory_space<semaphore_mem>>) src(%dma_wait3A_68 : memref<10000xi32, #tpu.memory_space<vmem_shared>>) dst(%dma_wait3A_67 : memref<10000xi32, #tpu.memory_space<vmem>>)
    %add3A_69 = arith.constant 0 : i32
    %add3A_70 = arith.addi %multiple_of3A_35, %add3A_69 : i32
    %parallel_loop3A_71 = arith.constant 0 : i32
    %parallel_loop3A_72 = arith.constant 625 : i32
    %parallel_loop3A_73 = arith.constant 1 : i32
    scf.for %parallel_loop3A_157 = %parallel_loop3A_71 to %parallel_loop3A_72 step %parallel_loop3A_73  : i32 {
      %parallel_loop3A_158 = arith.constant 16 : i32
      %parallel_loop3A_159 = arith.muli %parallel_loop3A_157, %parallel_loop3A_158 : i32
      %parallel_loop3A_160 = arith.addi %add3A_70, %parallel_loop3A_159 : i32
      %parallel_loop3A_161 = arith.index_cast %parallel_loop3A_160 : i32 to index
      %parallel_loop3A_162 = tpu.vector_load %arg7[%parallel_loop3A_161] {strides = array<i32>} : memref<62560xi32, #tpu.memory_space<vmem>>, vector<16xi32>,
      %parallel_loop3A_163 = arith.constant 16 : i32
      %parallel_loop3A_164 = arith.muli %parallel_loop3A_157, %parallel_loop3A_163 : i32
      %parallel_loop3A_165 = arith.index_cast %parallel_loop3A_164 : i32 to index
      %parallel_loop3A_166 = tpu.vector_load %arg4[%parallel_loop3A_165] {strides = array<i32>} : memref<10000xi32, #tpu.memory_space<vmem>>, vector<16xi32>,
      %parallel_loop3A_167 = arith.maxsi %parallel_loop3A_162, %parallel_loop3A_166 : vector<16xi32>
      %parallel_loop3A_168 = arith.constant 16 : i32
      %parallel_loop3A_169 = arith.muli %parallel_loop3A_157, %parallel_loop3A_168 : i32
      %parallel_loop3A_170 = arith.addi %add3A_70, %parallel_loop3A_169 : i32
      %parallel_loop3A_171 = arith.index_cast %parallel_loop3A_170 : i32 to index
      %parallel_loop3A_172 = tpu.vector_load %arg7[%parallel_loop3A_171] {strides = array<i32>} : memref<62560xi32, #tpu.memory_space<vmem>>, vector<16xi32>,
      tpu.vector_store %arg7[%parallel_loop3A_171], %parallel_loop3A_167 {strides = array<i32>} : memref<62560xi32, #tpu.memory_space<vmem>>, vector<16xi32>,
    } {sc.loop_unroll_factor = 8 : i64, sc.parallel_access}
    %add3A_74 = arith.addi %multiple_of3A, %multiple_of3A_35 : i32
    %add3A_75 = arith.constant 20000 : i32
    %add3A_76 = arith.addi %add3A_74, %add3A_75 : i32
    %multiple_of3A_77 = tpu.assume_multiple %add3A_76, 8 : i32
    %dma_start3A_78 = arith.constant 0 : i32
    %dma_start3A_79 = tpu.memref_slice %arg4[%dma_start3A_78] : memref<10000xi32, #tpu.memory_space<vmem>> -> memref<10000xi32, #tpu.memory_space<vmem>>
    %dma_start3A_80 = tpu.memref_slice %arg8[%multiple_of3A_77] : memref<500480xi32, #tpu.memory_space<vmem_shared>> -> memref<10000xi32, #tpu.memory_space<vmem_shared>>
    %dma_start3A_81 = arith.constant 0 : i32
    %dma_start3A_82 = tpu.memref_slice %arg4[%dma_start3A_81] : memref<10000xi32, #tpu.memory_space<vmem>> -> memref<10000xi32, #tpu.memory_space<vmem>>
    %dma_start3A_83 = tpu.memref_slice %arg8[%multiple_of3A_77] : memref<500480xi32, #tpu.memory_space<vmem_shared>> -> memref<10000xi32, #tpu.memory_space<vmem_shared>>
    tpu.enqueue_dma source(%dma_start3A_83 : memref<10000xi32, #tpu.memory_space<vmem_shared>>) target(%dma_start3A_82 : memref<10000xi32, #tpu.memory_space<vmem>>) target_semaphore(%arg9 : memref<!tpu.dma_semaphore, #tpu.memory_space<semaphore_mem>>)
    %add3A_84 = arith.addi %multiple_of3A, %multiple_of3A_35 : i32
    %add3A_85 = arith.constant 10000 : i32
    %add3A_86 = arith.addi %add3A_84, %add3A_85 : i32
    %multiple_of3A_87 = tpu.assume_multiple %add3A_86, 8 : i32
    %dma_wait3A_88 = arith.constant 0 : i32
    %dma_wait3A_89 = tpu.memref_slice %arg5[%dma_wait3A_88] : memref<10000xi32, #tpu.memory_space<vmem>> -> memref<10000xi32, #tpu.memory_space<vmem>>
    %dma_wait3A_90 = tpu.memref_slice %arg8[%multiple_of3A_87] : memref<500480xi32, #tpu.memory_space<vmem_shared>> -> memref<10000xi32, #tpu.memory_space<vmem_shared>>
    %dma_wait3A_91 = arith.constant 0 : i32
    %dma_wait3A_92 = tpu.memref_slice %arg5[%dma_wait3A_91] : memref<10000xi32, #tpu.memory_space<vmem>> -> memref<10000xi32, #tpu.memory_space<vmem>>
    %dma_wait3A_93 = tpu.memref_slice %arg8[%multiple_of3A_87] : memref<500480xi32, #tpu.memory_space<vmem_shared>> -> memref<10000xi32, #tpu.memory_space<vmem_shared>>
    tpu.wait_dma2 semaphore(%arg10 : memref<!tpu.dma_semaphore, #tpu.memory_space<semaphore_mem>>) src(%dma_wait3A_93 : memref<10000xi32, #tpu.memory_space<vmem_shared>>) dst(%dma_wait3A_92 : memref<10000xi32, #tpu.memory_space<vmem>>)
    %add3A_94 = arith.constant 10000 : i32
    %add3A_95 = arith.addi %multiple_of3A_35, %add3A_94 : i32
    %parallel_loop3A_96 = arith.constant 0 : i32
    %parallel_loop3A_97 = arith.constant 625 : i32
    %parallel_loop3A_98 = arith.constant 1 : i32
    scf.for %parallel_loop3A_157 = %parallel_loop3A_96 to %parallel_loop3A_97 step %parallel_loop3A_98  : i32 {
      %parallel_loop3A_158 = arith.constant 16 : i32
      %parallel_loop3A_159 = arith.muli %parallel_loop3A_157, %parallel_loop3A_158 : i32
      %parallel_loop3A_160 = arith.addi %add3A_95, %parallel_loop3A_159 : i32
      %parallel_loop3A_161 = arith.index_cast %parallel_loop3A_160 : i32 to index
      %parallel_loop3A_162 = tpu.vector_load %arg7[%parallel_loop3A_161] {strides = array<i32>} : memref<62560xi32, #tpu.memory_space<vmem>>, vector<16xi32>,
      %parallel_loop3A_163 = arith.constant 16 : i32
      %parallel_loop3A_164 = arith.muli %parallel_loop3A_157, %parallel_loop3A_163 : i32
      %parallel_loop3A_165 = arith.index_cast %parallel_loop3A_164 : i32 to index
      %parallel_loop3A_166 = tpu.vector_load %arg5[%parallel_loop3A_165] {strides = array<i32>} : memref<10000xi32, #tpu.memory_space<vmem>>, vector<16xi32>,
      %parallel_loop3A_167 = arith.maxsi %parallel_loop3A_162, %parallel_loop3A_166 : vector<16xi32>
      %parallel_loop3A_168 = arith.constant 16 : i32
      %parallel_loop3A_169 = arith.muli %parallel_loop3A_157, %parallel_loop3A_168 : i32
      %parallel_loop3A_170 = arith.addi %add3A_95, %parallel_loop3A_169 : i32
      %parallel_loop3A_171 = arith.index_cast %parallel_loop3A_170 : i32 to index
      %parallel_loop3A_172 = tpu.vector_load %arg7[%parallel_loop3A_171] {strides = array<i32>} : memref<62560xi32, #tpu.memory_space<vmem>>, vector<16xi32>,
      tpu.vector_store %arg7[%parallel_loop3A_171], %parallel_loop3A_167 {strides = array<i32>} : memref<62560xi32, #tpu.memory_space<vmem>>, vector<16xi32>,
    } {sc.loop_unroll_factor = 8 : i64, sc.parallel_access}
    %add3A_99 = arith.addi %multiple_of3A, %multiple_of3A_35 : i32
    %add3A_100 = arith.constant 30000 : i32
    %add3A_101 = arith.addi %add3A_99, %add3A_100 : i32
    %multiple_of3A_102 = tpu.assume_multiple %add3A_101, 8 : i32
    %dma_start3A_103 = arith.constant 0 : i32
    %dma_start3A_104 = tpu.memref_slice %arg5[%dma_start3A_103] : memref<10000xi32, #tpu.memory_space<vmem>> -> memref<1280xi32, #tpu.memory_space<vmem>>
    %dma_start3A_105 = tpu.memref_slice %arg8[%multiple_of3A_102] : memref<500480xi32, #tpu.memory_space<vmem_shared>> -> memref<1280xi32, #tpu.memory_space<vmem_shared>>
    %dma_start3A_106 = arith.constant 0 : i32
    %dma_start3A_107 = tpu.memref_slice %arg5[%dma_start3A_106] : memref<10000xi32, #tpu.memory_space<vmem>> -> memref<1280xi32, #tpu.memory_space<vmem>>
    %dma_start3A_108 = tpu.memref_slice %arg8[%multiple_of3A_102] : memref<500480xi32, #tpu.memory_space<vmem_shared>> -> memref<1280xi32, #tpu.memory_space<vmem_shared>>
    tpu.enqueue_dma source(%dma_start3A_108 : memref<1280xi32, #tpu.memory_space<vmem_shared>>) target(%dma_start3A_107 : memref<1280xi32, #tpu.memory_space<vmem>>) target_semaphore(%arg10 : memref<!tpu.dma_semaphore, #tpu.memory_space<semaphore_mem>>)
    %add3A_109 = arith.addi %multiple_of3A, %multiple_of3A_35 : i32
    %add3A_110 = arith.constant 20000 : i32
    %add3A_111 = arith.addi %add3A_109, %add3A_110 : i32
    %multiple_of3A_112 = tpu.assume_multiple %add3A_111, 8 : i32
    %dma_wait3A_113 = arith.constant 0 : i32
    %dma_wait3A_114 = tpu.memref_slice %arg4[%dma_wait3A_113] : memref<10000xi32, #tpu.memory_space<vmem>> -> memref<10000xi32, #tpu.memory_space<vmem>>
    %dma_wait3A_115 = tpu.memref_slice %arg8[%multiple_of3A_112] : memref<500480xi32, #tpu.memory_space<vmem_shared>> -> memref<10000xi32, #tpu.memory_space<vmem_shared>>
    %dma_wait3A_116 = arith.constant 0 : i32
    %dma_wait3A_117 = tpu.memref_slice %arg4[%dma_wait3A_116] : memref<10000xi32, #tpu.memory_space<vmem>> -> memref<10000xi32, #tpu.memory_space<vmem>>
    %dma_wait3A_118 = tpu.memref_slice %arg8[%multiple_of3A_112] : memref<500480xi32, #tpu.memory_space<vmem_shared>> -> memref<10000xi32, #tpu.memory_space<vmem_shared>>
    tpu.wait_dma2 semaphore(%arg9 : memref<!tpu.dma_semaphore, #tpu.memory_space<semaphore_mem>>) src(%dma_wait3A_118 : memref<10000xi32, #tpu.memory_space<vmem_shared>>) dst(%dma_wait3A_117 : memref<10000xi32, #tpu.memory_space<vmem>>)
    %add3A_119 = arith.constant 20000 : i32
    %add3A_120 = arith.addi %multiple_of3A_35, %add3A_119 : i32
    %parallel_loop3A_121 = arith.constant 0 : i32
    %parallel_loop3A_122 = arith.constant 625 : i32
    %parallel_loop3A_123 = arith.constant 1 : i32
    scf.for %parallel_loop3A_157 = %parallel_loop3A_121 to %parallel_loop3A_122 step %parallel_loop3A_123  : i32 {
      %parallel_loop3A_158 = arith.constant 16 : i32
      %parallel_loop3A_159 = arith.muli %parallel_loop3A_157, %parallel_loop3A_158 : i32
      %parallel_loop3A_160 = arith.addi %add3A_120, %parallel_loop3A_159 : i32
      %parallel_loop3A_161 = arith.index_cast %parallel_loop3A_160 : i32 to index
      %parallel_loop3A_162 = tpu.vector_load %arg7[%parallel_loop3A_161] {strides = array<i32>} : memref<62560xi32, #tpu.memory_space<vmem>>, vector<16xi32>,
      %parallel_loop3A_163 = arith.constant 16 : i32
      %parallel_loop3A_164 = arith.muli %parallel_loop3A_157, %parallel_loop3A_163 : i32
      %parallel_loop3A_165 = arith.index_cast %parallel_loop3A_164 : i32 to index
      %parallel_loop3A_166 = tpu.vector_load %arg4[%parallel_loop3A_165] {strides = array<i32>} : memref<10000xi32, #tpu.memory_space<vmem>>, vector<16xi32>,
      %parallel_loop3A_167 = arith.maxsi %parallel_loop3A_162, %parallel_loop3A_166 : vector<16xi32>
      %parallel_loop3A_168 = arith.constant 16 : i32
      %parallel_loop3A_169 = arith.muli %parallel_loop3A_157, %parallel_loop3A_168 : i32
      %parallel_loop3A_170 = arith.addi %add3A_120, %parallel_loop3A_169 : i32
      %parallel_loop3A_171 = arith.index_cast %parallel_loop3A_170 : i32 to index
      %parallel_loop3A_172 = tpu.vector_load %arg7[%parallel_loop3A_171] {strides = array<i32>} : memref<62560xi32, #tpu.memory_space<vmem>>, vector<16xi32>,
      tpu.vector_store %arg7[%parallel_loop3A_171], %parallel_loop3A_167 {strides = array<i32>} : memref<62560xi32, #tpu.memory_space<vmem>>, vector<16xi32>,
    } {sc.loop_unroll_factor = 8 : i64, sc.parallel_access}
    %add3A_124 = arith.addi %multiple_of3A, %multiple_of3A_35 : i32
    %add3A_125 = arith.constant 30000 : i32
    %add3A_126 = arith.addi %add3A_124, %add3A_125 : i32
    %multiple_of3A_127 = tpu.assume_multiple %add3A_126, 8 : i32
    %dma_wait3A_128 = arith.constant 0 : i32
    %dma_wait3A_129 = tpu.memref_slice %arg5[%dma_wait3A_128] : memref<10000xi32, #tpu.memory_space<vmem>> -> memref<1280xi32, #tpu.memory_space<vmem>>
    %dma_wait3A_130 = tpu.memref_slice %arg8[%multiple_of3A_127] : memref<500480xi32, #tpu.memory_space<vmem_shared>> -> memref<1280xi32, #tpu.memory_space<vmem_shared>>
    %dma_wait3A_131 = arith.constant 0 : i32
    %dma_wait3A_132 = tpu.memref_slice %arg5[%dma_wait3A_131] : memref<10000xi32, #tpu.memory_space<vmem>> -> memref<1280xi32, #tpu.memory_space<vmem>>
    %dma_wait3A_133 = tpu.memref_slice %arg8[%multiple_of3A_127] : memref<500480xi32, #tpu.memory_space<vmem_shared>> -> memref<1280xi32, #tpu.memory_space<vmem_shared>>
    tpu.wait_dma2 semaphore(%arg10 : memref<!tpu.dma_semaphore, #tpu.memory_space<semaphore_mem>>) src(%dma_wait3A_133 : memref<1280xi32, #tpu.memory_space<vmem_shared>>) dst(%dma_wait3A_132 : memref<1280xi32, #tpu.memory_space<vmem>>)
    %add3A_134 = arith.constant 30000 : i32
    %add3A_135 = arith.addi %multiple_of3A_35, %add3A_134 : i32
    %parallel_loop3A_136 = arith.constant 0 : i32
    %parallel_loop3A_137 = arith.constant 80 : i32
    %parallel_loop3A_138 = arith.constant 1 : i32
    scf.for %parallel_loop3A_157 = %parallel_loop3A_136 to %parallel_loop3A_137 step %parallel_loop3A_138  : i32 {
      %parallel_loop3A_158 = arith.constant 16 : i32
      %parallel_loop3A_159 = arith.muli %parallel_loop3A_157, %parallel_loop3A_158 : i32
      %parallel_loop3A_160 = arith.addi %add3A_135, %parallel_loop3A_159 : i32
      %parallel_loop3A_161 = arith.index_cast %parallel_loop3A_160 : i32 to index
      %parallel_loop3A_162 = tpu.vector_load %arg7[%parallel_loop3A_161] {strides = array<i32>} : memref<62560xi32, #tpu.memory_space<vmem>>, vector<16xi32>,
      %parallel_loop3A_163 = arith.constant 16 : i32
      %parallel_loop3A_164 = arith.muli %parallel_loop3A_157, %parallel_loop3A_163 : i32
      %parallel_loop3A_165 = arith.index_cast %parallel_loop3A_164 : i32 to index
      %parallel_loop3A_166 = tpu.vector_load %arg5[%parallel_loop3A_165] {strides = array<i32>} : memref<10000xi32, #tpu.memory_space<vmem>>, vector<16xi32>,
      %parallel_loop3A_167 = arith.maxsi %parallel_loop3A_162, %parallel_loop3A_166 : vector<16xi32>
      %parallel_loop3A_168 = arith.constant 16 : i32
      %parallel_loop3A_169 = arith.muli %parallel_loop3A_157, %parallel_loop3A_168 : i32
      %parallel_loop3A_170 = arith.addi %add3A_135, %parallel_loop3A_169 : i32
      %parallel_loop3A_171 = arith.index_cast %parallel_loop3A_170 : i32 to index
      %parallel_loop3A_172 = tpu.vector_load %arg7[%parallel_loop3A_171] {strides = array<i32>} : memref<62560xi32, #tpu.memory_space<vmem>>, vector<16xi32>,
      tpu.vector_store %arg7[%parallel_loop3A_171], %parallel_loop3A_167 {strides = array<i32>} : memref<62560xi32, #tpu.memory_space<vmem>>, vector<16xi32>,
    } {sc.loop_unroll_factor = 8 : i64, sc.parallel_access}
    %eq3A_139 = arith.constant 0 : i32
    %eq3A_140 = arith.cmpi eq, %and3A_2, %eq3A_139 : i32
    %convert_element_type3A = arith.extui %eq3A_140 : i1 to i32
    %cond3A = arith.constant 0 : i32
    %cond3A_141 = arith.cmpi ne, %convert_element_type3A, %cond3A : i32
    scf.if %cond3A_141 {
      "tpu.region"() ({
        %run_scoped3A = tpu.sem_alloc : memref<!tpu.dma_semaphore, #tpu.memory_space<semaphore_mem>>
        %dma_start3A_157 = arith.constant 0 : i32
        %dma_start3A_158 = tpu.memref_slice %arg7[%dma_start3A_157] : memref<62560xi32, #tpu.memory_space<vmem>> -> memref<31280xi32, #tpu.memory_space<vmem>>
        %dma_start3A_159 = tpu.memref_slice %arg3[%mul3A_4] : memref<1000000xi32, #tpu.memory_space<hbm>> -> memref<31280xi32, #tpu.memory_space<hbm>>
        %dma_start3A_160 = tpu.memref_slice %arg3[%mul3A_4] : memref<1000000xi32, #tpu.memory_space<hbm>> -> memref<31280xi32, #tpu.memory_space<hbm>>
        %dma_start3A_161 = arith.constant 0 : i32
        %dma_start3A_162 = tpu.memref_slice %arg7[%dma_start3A_161] : memref<62560xi32, #tpu.memory_space<vmem>> -> memref<31280xi32, #tpu.memory_space<vmem>>
        tpu.enqueue_dma source(%dma_start3A_162 : memref<31280xi32, #tpu.memory_space<vmem>>) target(%dma_start3A_160 : memref<31280xi32, #tpu.memory_space<hbm>>) target_semaphore(%run_scoped3A : memref<!tpu.dma_semaphore, #tpu.memory_space<semaphore_mem>>)
        %dma_wait3A_163 = arith.constant 0 : i32
        %dma_wait3A_164 = tpu.memref_slice %arg7[%dma_wait3A_163] : memref<62560xi32, #tpu.memory_space<vmem>> -> memref<31280xi32, #tpu.memory_space<vmem>>
        %dma_wait3A_165 = tpu.memref_slice %arg3[%mul3A_4] : memref<1000000xi32, #tpu.memory_space<hbm>> -> memref<31280xi32, #tpu.memory_space<hbm>>
        %dma_wait3A_166 = tpu.memref_slice %arg3[%mul3A_4] : memref<1000000xi32, #tpu.memory_space<hbm>> -> memref<31280xi32, #tpu.memory_space<hbm>>
        %dma_wait3A_167 = arith.constant 0 : i32
        %dma_wait3A_168 = tpu.memref_slice %arg7[%dma_wait3A_167] : memref<62560xi32, #tpu.memory_space<vmem>> -> memref<31280xi32, #tpu.memory_space<vmem>>
        tpu.wait_dma2 semaphore(%run_scoped3A : memref<!tpu.dma_semaphore, #tpu.memory_space<semaphore_mem>>) src(%dma_wait3A_168 : memref<31280xi32, #tpu.memory_space<vmem>>) dst(%dma_wait3A_166 : memref<31280xi32, #tpu.memory_space<hbm>>)
        tpu.yield
      }) : () -> ()
    } else {
    }
    %eq3A_142 = arith.constant 1 : i32
    %eq3A_143 = arith.cmpi eq, %and3A_2, %eq3A_142 : i32
    %eq3A_144 = arith.constant 15 : i32
    %eq3A_145 = arith.cmpi eq, %add3A, %eq3A_144 : i32
    %and3A_146 = arith.andi %eq3A_143, %eq3A_145 : i1
    %convert_element_type3A_147 = arith.extui %and3A_146 : i1 to i32
    %cond3A_148 = arith.constant 0 : i32
    %cond3A_149 = arith.cmpi ne, %convert_element_type3A_147, %cond3A_148 : i32
    scf.if %cond3A_149 {
      %add3A_157 = arith.constant 31280 : i32
      %add3A_158 = arith.addi %mul3A_4, %add3A_157 : i32
      "tpu.region"() ({
        %run_scoped3A = tpu.sem_alloc : memref<!tpu.dma_semaphore, #tpu.memory_space<semaphore_mem>>
        %dma_start3A_159 = arith.constant 31280 : i32
        %dma_start3A_160 = tpu.memref_slice %arg7[%dma_start3A_159] : memref<62560xi32, #tpu.memory_space<vmem>> -> memref<31280xi32, #tpu.memory_space<vmem>>
        %dma_start3A_161 = tpu.memref_slice %arg3[%add3A_158] : memref<1000000xi32, #tpu.memory_space<hbm>> -> memref<31280xi32, #tpu.memory_space<hbm>>
        %dma_start3A_162 = tpu.memref_slice %arg3[%add3A_158] : memref<1000000xi32, #tpu.memory_space<hbm>> -> memref<31280xi32, #tpu.memory_space<hbm>>
        %dma_start3A_163 = arith.constant 31280 : i32
        %dma_start3A_164 = tpu.memref_slice %arg7[%dma_start3A_163] : memref<62560xi32, #tpu.memory_space<vmem>> -> memref<31280xi32, #tpu.memory_space<vmem>>
        tpu.enqueue_dma source(%dma_start3A_164 : memref<31280xi32, #tpu.memory_space<vmem>>) target(%dma_start3A_162 : memref<31280xi32, #tpu.memory_space<hbm>>) target_semaphore(%run_scoped3A : memref<!tpu.dma_semaphore, #tpu.memory_space<semaphore_mem>>)
        %dma_wait3A_165 = arith.constant 31280 : i32
        %dma_wait3A_166 = tpu.memref_slice %arg7[%dma_wait3A_165] : memref<62560xi32, #tpu.memory_space<vmem>> -> memref<31280xi32, #tpu.memory_space<vmem>>
        %dma_wait3A_167 = tpu.memref_slice %arg3[%add3A_158] : memref<1000000xi32, #tpu.memory_space<hbm>> -> memref<31280xi32, #tpu.memory_space<hbm>>
        %dma_wait3A_168 = tpu.memref_slice %arg3[%add3A_158] : memref<1000000xi32, #tpu.memory_space<hbm>> -> memref<31280xi32, #tpu.memory_space<hbm>>
        %dma_wait3A_169 = arith.constant 31280 : i32
        %dma_wait3A_170 = tpu.memref_slice %arg7[%dma_wait3A_169] : memref<62560xi32, #tpu.memory_space<vmem>> -> memref<31280xi32, #tpu.memory_space<vmem>>
        tpu.wait_dma2 semaphore(%run_scoped3A : memref<!tpu.dma_semaphore, #tpu.memory_space<semaphore_mem>>) src(%dma_wait3A_170 : memref<31280xi32, #tpu.memory_space<vmem>>) dst(%dma_wait3A_168 : memref<31280xi32, #tpu.memory_space<hbm>>)
        tpu.yield
      }) : () -> ()
    } else {
    }
    %eq3A_150 = arith.constant 1 : i32
    %eq3A_151 = arith.cmpi eq, %and3A_2, %eq3A_150 : i32
    %ne3A = arith.constant 15 : i32
    %ne3A_152 = arith.cmpi ne, %add3A, %ne3A : i32
    %and3A_153 = arith.andi %eq3A_151, %ne3A_152 : i1
    %convert_element_type3A_154 = arith.extui %and3A_153 : i1 to i32
    %cond3A_155 = arith.constant 0 : i32
    %cond3A_156 = arith.cmpi ne, %convert_element_type3A_154, %cond3A_155 : i32
    scf.if %cond3A_156 {
      %add3A_157 = arith.constant 31280 : i32
      %add3A_158 = arith.addi %mul3A_4, %add3A_157 : i32
      "tpu.region"() ({
        %run_scoped3A = tpu.sem_alloc : memref<!tpu.dma_semaphore, #tpu.memory_space<semaphore_mem>>
        %dma_start3A_159 = arith.constant 31280 : i32
        %dma_start3A_160 = tpu.memref_slice %arg7[%dma_start3A_159] : memref<62560xi32, #tpu.memory_space<vmem>> -> memref<31216xi32, #tpu.memory_space<vmem>>
        %dma_start3A_161 = tpu.memref_slice %arg3[%add3A_158] : memref<1000000xi32, #tpu.memory_space<hbm>> -> memref<31216xi32, #tpu.memory_space<hbm>>
        %dma_start3A_162 = tpu.memref_slice %arg3[%add3A_158] : memref<1000000xi32, #tpu.memory_space<hbm>> -> memref<31216xi32, #tpu.memory_space<hbm>>
        %dma_start3A_163 = arith.constant 31280 : i32
        %dma_start3A_164 = tpu.memref_slice %arg7[%dma_start3A_163] : memref<62560xi32, #tpu.memory_space<vmem>> -> memref<31216xi32, #tpu.memory_space<vmem>>
        tpu.enqueue_dma source(%dma_start3A_164 : memref<31216xi32, #tpu.memory_space<vmem>>) target(%dma_start3A_162 : memref<31216xi32, #tpu.memory_space<hbm>>) target_semaphore(%run_scoped3A : memref<!tpu.dma_semaphore, #tpu.memory_space<semaphore_mem>>)
        %dma_wait3A_165 = arith.constant 31280 : i32
        %dma_wait3A_166 = tpu.memref_slice %arg7[%dma_wait3A_165] : memref<62560xi32, #tpu.memory_space<vmem>> -> memref<31216xi32, #tpu.memory_space<vmem>>
        %dma_wait3A_167 = tpu.memref_slice %arg3[%add3A_158] : memref<1000000xi32, #tpu.memory_space<hbm>> -> memref<31216xi32, #tpu.memory_space<hbm>>
        %dma_wait3A_168 = tpu.memref_slice %arg3[%add3A_158] : memref<1000000xi32, #tpu.memory_space<hbm>> -> memref<31216xi32, #tpu.memory_space<hbm>>
        %dma_wait3A_169 = arith.constant 31280 : i32
        %dma_wait3A_170 = tpu.memref_slice %arg7[%dma_wait3A_169] : memref<62560xi32, #tpu.memory_space<vmem>> -> memref<31216xi32, #tpu.memory_space<vmem>>
        tpu.wait_dma2 semaphore(%run_scoped3A : memref<!tpu.dma_semaphore, #tpu.memory_space<semaphore_mem>>) src(%dma_wait3A_170 : memref<31216xi32, #tpu.memory_space<vmem>>) dst(%dma_wait3A_168 : memref<31216xi32, #tpu.memory_space<hbm>>)
        tpu.yield
      }) : () -> ()
    } else {
    }
    return
  }
}

</mosaic_0001>

<sc_bundles>
// kernel: kernel.3.cloned.1.call-start
scs
__scs_entry_jumppad:
0x0: {  	(pc) =	sbr.rel $0x88, $3  }
0x1: {  	(tag) =	ssettag $0x0;
	lr =	simm.s32 $0x1  }
0x2: {  	[smem:$0x3FA0] =	sst lr;
	_ =	strace $0xD0000000  }
0x3: {  	_ = 	snop  }
0x4: {  	_ = 	snop  }
0x5: {  	_ = 	snop  }
0x6: {  	_ = 	snop  }
0x7: {  	_ = 	snop  }
__scs_overlays_trampoline_lowered:
0x8: {  	[smem:$0x3FAF] =	sst s0  }
0x9: {  	[smem:$0x3FB0] =	sst s1  }
0xa: {  	[smem:$0x3FB1] =	sst s2  }
0xb: {  	[smem:$0x3FB2] =	sst s3  }
0xc: {  	[smem:$0x3FB3] =	sst s4  }
0xd: {  	[smem:$0x3FB4] =	sst s5  }
0xe: {  	[smem:$0x3FB5] =	sst s6  }
0xf: {  	[smem:$0x3FB6] =	sst s7  }
0x10: {  	[smem:$0x3FB7] =	sst s8  }
0x11: {  	[smem:$0x3FB8] =	sst s9;
	s0 =	simm.s32 @!p0 $0x0  }
0x12: {  	s1 =	sld [smem:$0x3F9E];
	s0 =	simm.s32 @p0 $0x1  }
0x13: {  	[smem:$0x3FB9] =	sst s0;
	s0 =	simm.s32 @!p1 $0x0  }
0x14: {  	s2 =	sld [smem:$0x3F9D];
	s0 =	simm.s32 @p1 $0x1  }
0x15: {  	[smem:$0x3FBA] =	sst s0;
	s0 =	simm.s32 @!p2 $0x0  }
0x16: {  	s3 =	sld [smem:$0x3FDB];
	s0 =	simm.s32 @p2 $0x1  }
0x17: {  	s4 =	simm.s32 $0x1BF5;
	[smem:$0x3FBC] =	sst s0  }
0x18: {  	s0 =	sld [smem:$0x3F9F];
	_ =	swait.ge [sflag:s4], $0x0  }
0x19: {  	s7 =	sld [smem:$0x3FA0]  }
0x1a: {  	s8 =	sadd.s32 $0xFFFFE003, lr  }
0x1b: {  	s9 =	sadd.s32 $0xFFFFFEF7, lr;
	s5 =	simm.s32 $0xFFFFFFFF;
	p2 =	slt.u32 s8, $0xFFFFF086  }
0x1c: {  	p1 =	slt.u32 s9, $0xF7A;
	s5 =	simm.s32 @!p2 $0x0  }
0x1d: {  	s5 =	simm.s32 @p1 $0x1;
	p0 =	seq.s32 s7, s2  }
0x1e: {  	s7 =	smul.u32 @!p0 $0xF7A, s2;
	p2 =	seq.s32 @!p0 s5, $0x0  }
0x1f: {  	s9 =	smul.u32 $0xF7A, s1;
	s8 =	simm.s32 @!p0 $0x1BF5;
	p2 =	por !p2, p0  }
0x20: {  	[sflag:s8] =	ssyncset.s32 @!p0 $0xFFFFF086;
	s6 =	sadd.s32 @!p0 s3, s7;
	s7 =	simm.s32 @!p0 $0x108  }
0x21: {  	s3 =	sadd.s32 s3, s9;
	s6 =	sadd.s32 @!p0 $0x88, s6;
	s7 =	simm.s32 @p2 $0x1082  }
0x22: {  	[simem:s7], [sflag:s8] =	dma.local @!p0 [hbm:s6], $0xF7A  }
0x23: {  	s9 =	sor.u32 $0xD0000000, s2;
	s6 =	simm.s32 $0x108;
	_ =	swait.ge @!p0 [sflag:s8], $0x0  }
0x24: {  	s3 =	sadd.s32 $0x88, s3;
	s6 =	simm.s32 @!p1 $0x1082;
	[sflag:s4] =	ssyncset.s32 $0xFFFFF086  }
0x25: {  	[simem:s6], [sflag:s4] =	dma.local [hbm:s3], $0xF7A  }
0x26: {  	[smem:$0x3FA0] =	sst s1;
	(tag) =	ssettag s2;
	_ =	strace s9  }
0x27: {  	s1 =	sld [smem:$0x3FB0]  }
0x28: {  	s2 =	sld [smem:$0x3FB1]  }
0x29: {  	s4 =	sld [smem:$0x3FB3]  }
0x2a: {  	p0 =	seq.s32 s5, $0x0;
	s5 =	sld [smem:$0x3FB4]  }
0x2b: {  	s6 =	sld [smem:$0x3FB5]  }
0x2c: {  	s7 =	sld [smem:$0x3FB6]  }
0x2d: {  	s3 =	simm.s32 $0x108;
	s8 =	sld [smem:$0x3FB7]  }
0x2e: {  	s3 =	simm.s32 @!p0 $0x1082;
	s9 =	sld [smem:$0x3FB8]  }
0x2f: {  	lr =	sadd.s32 s0, s3;
	s0 =	sld [smem:$0x3FAF]  }
0x30: {  	s3 =	sld [smem:$0x3FB2]  }
0x31: {  	[smem:$0x3FBB] =	sst s10  }
0x32: {  	s10 =	sld [smem:$0x3FB9];
	_ =	sdelay $0x3  }
0x33: {  	p0 =	seq.s32 s10, $0x1;
	s10 =	sld [smem:$0x3FBB];
	_ =	sdelay $0x3  }
0x34: {  	[smem:$0x3FBB] =	sst s10  }
0x35: {  	s10 =	sld [smem:$0x3FBA];
	_ =	sdelay $0x3  }
0x36: {  	p1 =	seq.s32 s10, $0x1;
	s10 =	sld [smem:$0x3FBB];
	_ =	sdelay $0x3  }
0x37: {  	[smem:$0x3FBB] =	sst s10  }
0x38: {  	s10 =	sld [smem:$0x3FBC]  }
0x39: {  	_ = 	snop;
	(pc) =	sbr.ind lr, $3  }
0x3a: {  	_ = 	snop  }
0x3b: {  	_ = 	snop  }
0x3c: {  	p2 =	seq.s32 s10, $0x1;
	s10 =	sld [smem:$0x3FBB]  }
0x3d: {  	_ =	shalt  }
0x3e: {  	_ =	shalt  }
0x3f: {  	_ =	shalt  }
0x40: {  	_ =	shalt  }
0x41: {  	_ =	shalt  }
0x42: {  	_ =	shalt  }
0x43: {  	_ =	shalt  }
0x44: {  	_ =	shalt  }
0x45: {  	_ =	shalt  }
0x46: {  	_ =	shalt  }
0x47: {  	_ =	shalt  }
0x48: {  	_ =	shalt  }
0x49: {  	_ =	shalt  }
0x4a: {  	_ =	shalt  }
0x4b: {  	_ =	shalt  }
0x4c: {  	_ =	shalt  }
0x4d: {  	_ =	shalt  }
0x4e: {  	_ =	shalt  }
0x4f: {  	_ =	shalt  }
0x50: {  	_ =	shalt  }
0x51: {  	_ =	shalt  }
0x52: {  	_ =	shalt  }
0x53: {  	_ =	shalt  }
0x54: {  	_ =	shalt  }
0x55: {  	_ =	shalt  }
0x56: {  	_ =	shalt  }
0x57: {  	_ =	shalt  }
0x58: {  	_ =	shalt  }
0x59: {  	_ =	shalt  }
0x5a: {  	_ =	shalt  }
0x5b: {  	_ =	shalt  }
0x5c: {  	_ =	shalt  }
0x5d: {  	_ =	shalt  }
0x5e: {  	_ =	shalt  }
0x5f: {  	_ =	shalt  }
0x60: {  	_ =	shalt  }
0x61: {  	_ =	shalt  }
0x62: {  	_ =	shalt  }
0x63: {  	_ =	shalt  }
0x64: {  	_ =	shalt  }
0x65: {  	_ =	shalt  }
0x66: {  	_ =	shalt  }
0x67: {  	_ =	shalt  }
0x68: {  	_ =	shalt  }
0x69: {  	_ =	shalt  }
0x6a: {  	_ =	shalt  }
0x6b: {  	_ =	shalt  }
0x6c: {  	_ =	shalt  }
0x6d: {  	_ =	shalt  }
0x6e: {  	_ =	shalt  }
0x6f: {  	_ =	shalt  }
0x70: {  	_ =	shalt  }
0x71: {  	_ =	shalt  }
0x72: {  	_ =	shalt  }
0x73: {  	_ =	shalt  }
0x74: {  	_ =	shalt  }
0x75: {  	_ =	shalt  }
0x76: {  	_ =	shalt  }
0x77: {  	_ =	shalt  }
0x78: {  	_ =	shalt  }
0x79: {  	_ =	shalt  }
0x7a: {  	_ =	shalt  }
0x7b: {  	_ =	shalt  }
0x7c: {  	_ =	shalt  }
0x7d: {  	_ =	shalt  }
0x7e: {  	_ =	shalt  }
0x7f: {  	_ =	shalt  }
0x80: {  	_ =	shalt  }
0x81: {  	_ =	shalt  }
0x82: {  	_ =	shalt  }
0x83: {  	_ =	shalt  }
0x84: {  	_ =	shalt  }
0x85: {  	_ =	shalt  }
0x86: {  	_ =	shalt  }
0x87: {  	_ =	shalt  }
.Lfunc_end0:
.L_simem_size_0:
called_computation_lowered:
.L_overlay_start_0:
0x88: {  	s2 =	sld [smem:$0x3FD9]  }
0x89: {  	s3 =	sld [smem:$0x3FFE];
	_ =	sdelay $0x1  }
0x8a: {  	s1 =	srdreg.scid  }
0x8b: {  	s0 =	sand.u32 $0x1, s1  }
0x8c: {  	s18 =	sshll.u32 s0, $0xA;
	s2 =	sadd.s32 s3, s2  }
0x8d: {  	s2 =	sadd.s32 s2, s18  }
0x8e: {  	[smem:$0x3FC7] =	sst s2  }
0x8f: {  	_ = 	snop  }
0x90: {  	s2 =	sld [smem:$0x3FC9]  }
0x91: {  	s19 =	sld [smem:$0x3FD0];
	(tm) =	ssettm $0x1  }
0x92: {  	s4 =	sld [smem:$0x3FFB];
	_ =	sdelay $0x3  }
0x93: {  	_ =	strace s4  }
0x94: {  	s4 =	sld [smem:$0x3FFC];
	_ =	sdelay $0x3  }
0x95: {  	_ =	strace s4  }
0x96: {  	s4 =	sld [smem:$0x3FFD];
	_ =	sdelay $0x3  }
0x97: {  	_ =	strace s4  }
0x98: {  	_ =	strace $0x8FFFFFFF  }
0x99: {  	s20 =	sld [smem:$0x3FDB];
	_ =	sdelay $0x1  }
0x9a: {  	s5 =	simm.s32 $_scs_section_size  }
0x9b: {  	s6 =	simm.s32 $_size__tile_overlayer_lowered;
	s7 =	simm.s32 $_tile_overlayer_lowered  }
0x9c: {  	s23 =	simm.s32 $0x1BFF;
	s22 =	sshll.u32 s7, $0x1;
	s4 =	sadd.s32 s5, s20  }
0x9d: {  	s8 =	simm.s32 $0x0;
	s21 =	sshll.u32 s6, $0x1;
	s6 =	sadd.s32 s22, s4  }
0x9e: {  	[timem:s8], [sflag:s23] =	dma.local [hbm:s6], s21  }
0x9f: {  	_ =	swait.ge [sflag:s23], s21  }
0xa0: {  	s5 =	ssub.s32 $0x0, s21;
	[sflag:s23] =	ssyncset.done $0x0  }
0xa1: {  	[sflag:s23] =	ssyncadd.s32 s5;
	_ =	sdelay $0x1  }
0xa2: {  	s24 =	simm.s32 $0x1B8B  }
0xa3: {  	_ =	swait.ge [sflag:s24], $0x1  }
0xa4: {  	[sflag:s24] =	ssyncset.done $0x0  }
0xa5: {  	s25 =	simm.s32 $0x1B8E;
	[sflag:s24] =	ssyncadd.s32 $0xFFFFFFFF  }
0xa6: {  	s26 =	simm.s32 $execute0_lowered;
	[smem:$0x3FD2] =	sst s25  }
0xa7: {  	s5 =	sshll.u32 s26, $0x1;
	_ =	strace $0x80000046;
	[dreg:$0x1] =	wrdreg $0xFFFFFFFF  }
0xa8: {  	s28 =	simm.s32 $_size_execute0_lowered;
	s4 =	sadd.s32 s4, s5;
	[dreg:$0x0] =	wrdreg $0x0  }
0xa9: {  	s5 =	sshll.u32 s28, $0x1;
	[dreg:$0x2] =	wrdreg s4  }
0xaa: {  	[dreg:$0x3] =	wrdreg s5  }
0xab: {  	[dreg:$0x4] =	wrdreg $0xC0  }
0xac: {  	_ =	task [dreg:s8], $0x5FFFF  }
0xad: {  	[dreg:$0x1] =	wrdreg $0xFFFFFFFF  }
0xae: {  	[dreg:$0x0] =	wrdreg $0x60  }
0xaf: {  	[dreg:$0x2] =	wrdreg s2  }
0xb0: {  	[dreg:$0x3] =	wrdreg s19  }
0xb1: {  	[dreg:$0x4] =	wrdreg $0x16B000  }
0xb2: {  	[dreg:$0x5] =	wrdreg $0x9  }
0xb3: {  	_ =	task.clear_ibuf [dreg:s8], $0x6FFFF;
	_ =	strace $0x90000046  }
0xb4: {  	s29 =	simm.s32 $0x9;
	_ =	strace $0x80000048  }
0xb5: {  	_ =	swait.ge [sflag:s29], $0x1  }
0xb6: {  	[sflag:s29] =	ssyncadd.s32 $0xFFFFFFFF  }
0xb7: {  	_ =	strace $0x90000048  }
0xb8: {  	_ =	sfence  }
0xb9: {  	s30 =	sld [smem:$0x0];
	_ =	sdelay $0x2  }
0xba: {  	s31 =	sshll.u32 s1, $0xD;
	s1 =	sshrl.u32 s1, $0x2  }
0xbb: {  	s3 =	sand.u32 $0x4000, s31;
	s1 =	sadd.s32 s1, s30  }
0xbc: {  	s0 =	sor.u32 s3, s0;
	s1 =	sshll.u32 s1, $0x11  }
0xbd: {  	s0 =	sor.u32 s1, s0  }
0xbe: {  	s0 =	sadd.s32 $0x8F2B, s0  }
0xbf: {  	[sflag:s0] =	ssyncadd.remote.s32 $0x1  }
0xc0: {  	_ =	sfence.sel $0xFFFF  }
0xc1: {  	[dreg:$0x0] =	wrdreg $0xFFFFFFFF;
	(pc) =	sbr.abs _section_cstart, $3  }
0xc2: {  	[dreg:$0x1] =	wrdreg $0xFFFFFFFF  }
0xc3: {  	_ =	task.clear_ibuf [dreg:s8], $0x2FFFF;
	_ =	strace $0x9FFFFFFF  }
0xc4: {  	(tm) =	ssettm $0x7FFFFFFF  }
0xc5: {  	_ =	shalt  }
tec
execute0_lowered:
.L_overlay_start_1:
0x0: {  	(tag) =	ssettag $0x1  }
0x1: {  	s1 =	rddreg [dreg:$0x0]  }
0x2: {  	s5 =	rddreg [dreg:$0x1]  }
0x3: {  	s7 =	rddreg [dreg:$0x2]  }
0x4: {  	s2 =	simm.s32 $0x0;
	s0 =	srdreg.scid;
	s9 =	stileid.u32  }
0x5: {  	s6 =	sand.u32 $0xE, s9;
	s8 =	sand.u32 $0x1, s9;
	s9 =	sshrl.u32 s9, $0x1  }
0x6: {  	[smem:$0x7FF] =	sst s2;
	s0 =	sand.u32 $0x1, s0;
	s9 =	smul.u32 $0x3D180, s9  }
0x7: {  	_ =	strace $0x80000047;
	s3 =	ssub.s32 $0x2, s0;
	s17 =	smul.u32 $0x7A30, s8  }
0x8: {  	s12 =	sor.u32 s0, s6;
	s0 =	simm.s32 $0xF460;
	s15 =	smul.u32 $0x1E8C0, s8  }
0x9: {  	s13 =	sxor.u32 $0x1, s8;
	s22 =	smul.u32 $0xC0, s8;
	p2 =	seq.s32 s8, $0x1  }
0xa: {  	s4 =	sshrl.u32 s3, $0x1;
	p0 =	seq.s32 s12, $0xF;
	s13 =	smul.u32 $0x7A30, s13  }
0xb: {  	p1 =	sne.s32 s12, $0xF;
	s11 =	ssub.s32 s3, s4;
	s4 =	smul.u32 $0x3D090, s8  }
0xc: {  	s3 =	smul.u32 $0xF420, s12;
	s0 =	simm.s32 @!p0 $0xF420;
	s14 =	sshrl.u32 s9, $0x2  }
0xd: {  	s19 =	sadd.s32 $0x2700, s17;
	s20 =	sand.u32 $0x70, s17;
	s23 =	sshll.u32 s17, $0x2  }
0xe: {  	s24 =	sand.u32 $0x1FE00, s15;
	p0 =	por !p0, !p2;
	p1 =	por !p1, !p2  }
0xf: {  	s30 =	sshrl.u32 s15, $0x2;
	[dreg:$0x5] =	wrdreg s17;
	s7 =	sadd.s32 s14, s7  }
0x10: {  	s12 =	sor.u32 s22, s24;
	s25 =	sadd.s32 $0x9C40, s23;
	s16 =	sadd.s32 $0x13880, s23  }
0x11: {  	p0 =	por !p0, !p0;
	p2 =	por !p1, !p1;
	s28 =	smax.u32 s11, $0x1  }
0x12: {  	p1 =	sne.s32 s8, $0x0;
	s11 =	simm.s32 $0x2;
	s18 =	sshrl.u32 s4, $0x3  }
0x13: {  	s9 =	sadd.s32 $0x4E20, s4;
	s14 =	sadd.s32 s13, s7;
	s13 =	sadd.s32 $0x7680, s13  }
0x14: {  	s16 =	sand.u32 $0x3FE00, s16;
	s26 =	sshrl.u32 s3, $0x3;
	[dreg:$0xd] =	wrdreg s28  }
0x15: {  	s12 =	sshrl.u32 s12, $0x2;
	p2 =	por !p2, p0;
	[dreg:$0x7] =	wrdreg s14  }
0x16: {  	s28 =	sadd.s32 $0xF0, s4;
	s6 =	sadd.s32 s1, s18;
	[dreg:$0x8] =	wrdreg s13  }
0x17: {  	s13 =	sand.u32 $0xFF80, s19;
	s18 =	sadd.s32 s17, s7;
	s14 =	sand.u32 $0x3FE00, s25  }
0x18: {  	s16 =	sor.u32 s22, s16;
	s29 =	sadd.s32 $0x7680, s12;
	[dreg:$0x16] =	wrdreg s28  }
0x19: {  	s12 =	sadd.s32 $0x76C0, s30;
	[dreg:$0x4] =	wrdreg s6;
	s6 =	sadd.s32 $0x2710, s4  }
0x1a: {  	s21 =	sor.u32 s20, s13;
	s13 =	sadd.s32 $0x1D4C0, s23;
	[dreg:$0xe] =	wrdreg s29  }
0x1b: {  	s14 =	sor.u32 s22, s14;
	[dreg:$0xf] =	wrdreg s12;
	s15 =	sadd.s32 $0x80, s16  }
0x1c: {  	s20 =	sadd.s32 $0x3D080, s4;
	s23 =	sadd.s32 $0x7680, s17;
	[dreg:$0x9] =	wrdreg s18  }
0x1d: {  	s24 =	sadd.s32 $0x4E20, s18;
	s25 =	sadd.s32 $0x7530, s18;
	[dreg:$0xa] =	wrdreg s21  }
0x1e: {  	s29 =	sadd.s32 $0x2800, s4;
	s10 =	sshrl.u32 s6, $0x3;
	[dreg:$0x13] =	wrdreg s24  }
0x1f: {  	s13 =	sand.u32 $0x3FE00, s13;
	s31 =	sadd.s32 $0x40, s14;
	[dreg:$0x14] =	wrdreg s25  }
0x20: {  	s16 =	sshrl.u32 s15, $0x2;
	s21 =	sadd.s32 $0x2710, s18;
	[dreg:$0x17] =	wrdreg s29  }
0x21: {  	s10 =	sadd.s32 s1, s10;
	s7 =	sor.u32 s22, s13;
	[dreg:$0x12] =	wrdreg s21  }
0x22: {  	s13 =	sadd.s32 s5, s26;
	s5 =	sadd.s32 $0x1D902, s5;
	[dreg:$0x6] =	wrdreg s10  }
0x23: {  	s14 =	sshrl.u32 s31, $0x2;
	s19 =	sadd.s32 $0x7680, s16;
	[dreg:$0xc] =	wrdreg s5  }
0x24: {  	s31 =	sadd.s32 $0x3AA70, s4;
	s7 =	sadd.s32 $0xC0, s7;
	[dreg:$0xb] =	wrdreg s13  }
0x25: {  	s8 =	sadd.s32 $0x7680, s14;
	[dreg:$0x19] =	wrdreg s31;
	s7 =	sshrl.u32 s7, $0x2  }
0x26: {  	s5 =	sadd.s32 $0x9E00, s30;
	[dreg:$0x10] =	wrdreg s8;
	s7 =	sadd.s32 $0x7680, s7  }
0x27: {  	s12 =	simm.s32 $0x3;
	v5 =	vmov s23;
	s26 =	sadd.s32 $0xF46, s13;
	v4 =	vmov s19;
	[dreg:$0x11] =	wrdreg s5;
	v6 =	vmov s7  }
0x28: {  	s15 =	simm.s32 $0x2780;
	s30 =	sadd.s32 $0x4F10, s4;
	[dreg:$0x15] =	wrdreg s26  }
0x29: {  	v1 =	vlaneseq.u32;
	v7 =	vimm.s32 $0x0;
	s22 =	sadd.s32 $0x9C40, s4;
	s10 =	sadd.s32 $0x7530, s4;
	[dreg:$0x18] =	wrdreg s30  }
0x2a: {  	v2 =	vmov s0;
	v0 =	vmov s3;
	v3 =	vor.u32 s20, v1;
	s5 =	simm.s32 $0x1;
	s8 =	simm.s32 $0x7680;
	s7 =	simm.s32 $0x0  }
.LBB2_1:
0x2b: {  	s0 =	rddreg [dreg:$0x4]  }
0x2c: {  	[tilespmem:s2], [sflag:$0x1] =	stream.linear.gather [hbm4b:s0+s2], $0x2710, $0x38;
	[tilespmem:$0x1E530] =	vst v63  }
0x2d: {  	s31 =	rddreg [dreg:$0x6];
	s0 =	simm.s32 $0x7700  }
0x2e: {  	[tilespmem:s15], [sflag:$0x2] =	stream.linear.gather [hbm4b:s31+s2], $0x2710, $0x38;
	[tilespmem:$0x1E530] =	vst v63  }
0x2f: {  	[tilespmem:s0+$0xFFFFFF80] =	vst v7  }
0x30: {  	[tilespmem:s0+$0x70] =	vst v7  }
0x31: {  	[tilespmem:s0+$0x60] =	vst v7  }
0x32: {  	[tilespmem:s0+$0x50] =	vst v7  }
0x33: {  	[tilespmem:s0+$0x40] =	vst v7  }
0x34: {  	[tilespmem:s0+$0x30] =	vst v7  }
0x35: {  	[tilespmem:s0+$0x20] =	vst v7  }
0x36: {  	[tilespmem:s0+$0x10] =	vst v7  }
0x37: {  	[tilespmem:s0+$0x0] =	vst v7  }
0x38: {  	[tilespmem:s0+$0xFFFFFFF0] =	vst v7  }
0x39: {  	[tilespmem:s0+$0xFFFFFFE0] =	vst v7  }
0x3a: {  	[tilespmem:s0+$0xFFFFFFD0] =	vst v7  }
0x3b: {  	[tilespmem:s0+$0xFFFFFFC0] =	vst v7  }
0x3c: {  	[tilespmem:s0+$0xFFFFFFB0] =	vst v7  }
0x3d: {  	s3 =	simm.s32 $0x0;
	[tilespmem:s0+$0xFFFFFFA0] =	vst v7  }
.LBB2_2:
0x3e: {  	s3 =	sadd.s32 $0x10, s3;
	[tilespmem:s0+$0xFFFFFF90] =	vst v7;
	s0 =	sadd.s32 $0x100, s0  }
0x3f: {  	[tilespmem:s0+$0xFFFFFF80] =	vst v7;
	p3 =	slt.u32 s3, $0xF30  }
0x40: {  	[tilespmem:s0+$0x70] =	vst v7  }
0x41: {  	[tilespmem:s0+$0x60] =	vst v7  }
0x42: {  	[tilespmem:s0+$0x50] =	vst v7  }
0x43: {  	[tilespmem:s0+$0x40] =	vst v7  }
0x44: {  	[tilespmem:s0+$0x30] =	vst v7  }
0x45: {  	[tilespmem:s0+$0x20] =	vst v7  }
0x46: {  	[tilespmem:s0+$0x10] =	vst v7  }
0x47: {  	[tilespmem:s0+$0x0] =	vst v7  }
0x48: {  	[tilespmem:s0+$0xFFFFFFF0] =	vst v7  }
.Ltmp0:
0x49: {  	[tilespmem:s0+$0xFFFFFFE0] =	vst v7;
	(pc) =	sbr.rel @p3 .LBB2_2-.Ltmp0, $4  }
0x4a: {  	[tilespmem:s0+$0xFFFFFFD0] =	vst v7  }
0x4b: {  	[tilespmem:s0+$0xFFFFFFC0] =	vst v7  }
0x4c: {  	[tilespmem:s0+$0xFFFFFFB0] =	vst v7  }
0x4d: {  	[tilespmem:s0+$0xFFFFFFA0] =	vst v7  }
0x4e: {  	[dreg:$0x1a] =	wrdreg s7  }
0x4f: {  	s23 =	simm.s32 $0x0;
	[tilespmem:s0+$0xFFFFFF90] =	vst v7;
	s0 =	simm.s32 $0x0  }
.LBB2_4:
0x50: {  	p3 =	sne.s32 s0, $0x140  }
.Ltmp1:
0x51: {  	_ = 	snop;
	(pc) =	sbr.rel @p3 .LBB2_4-.Ltmp1, $3  }
0x52: {  	_ =	sdelay $0x1  }
0x53: {  	s3 =	sshra.s32 s0, $0x2  }
0x54: {  	s0 =	sadd.s32 $0x40, s0;
	[tilespmem:s3+$0x16A80] =	vst v7  }
0x55: {  	s30 =	rddreg [dreg:$0x18]  }
0x56: {  	s29 =	rddreg [dreg:$0x17]  }
0x57: {  	s13 =	rddreg [dreg:$0x16]  }
.LBB2_6:
0x58: {  	s25 =	smul.u32 $0x7530, s23;
	_ =	sdelay $0x1  }
0x59: {  	s26 =	sadd.s32 s25, s9  }
0x5a: {  	s0 =	sshrl.u32 s26, $0x3  }
0x5b: {  	s3 =	simm.s32 $0x4F00;
	s0 =	sadd.s32 s1, s0  }
0x5c: {  	[tilespmem:s3], [sflag:$0x3] =	stream.linear.gather [hbm4b:s0+s2], $0x2710, $0x38;
	[tilespmem:$0x1E530] =	vst v63  }
0x5d: {  	_ =	swait.ge [sflag:s5], $0x2710  }
0x5e: {  	[sflag:s5] =	ssyncset.done $0x0  }
0x5f: {  	s0 =	simm.s32 $0x80;
	[sflag:s5] =	ssyncadd.s32 $0xFFFFD8F0  }
0x60: {  	v8 =	vld [tilespmem:s0+$0x70]  }
0x61: {  	v9 =	vld [tilespmem:s0+$0xFFFFFF90]  }
0x62: {  	v10 =	vld [tilespmem:s0+$0xFFFFFFA0]  }
0x63: {  	v11 =	vld [tilespmem:s0+$0xFFFFFFB0]  }
0x64: {  	v12 =	vld [tilespmem:s0+$0xFFFFFFC0]  }
0x65: {  	v13 =	vld [tilespmem:s0+$0xFFFFFFD0]  }
0x66: {  	v16 =	vld [tilespmem:s0+$0xFFFFFFF0]  }
0x67: {  	v14 =	vsub.s32 v8, v0;
	v8 =	vld [tilespmem:s0+$0xFFFFFFE0]  }
0x68: {  	v15 =	vsub.s32 v9, v0;
	vm4 =	vlt.u32 v14, v2  }
0x69: {  	v19 =	vld [tilespmem:s0+$0x0];
	v22 =	vsub.s32 v10, v0;
	vm5 =	vlt.u32 v15, v2  }
0x6a: {  	v21 =	vor.u32 s13, v1;
	v20 =	vld [tilespmem:s0+$0x10];
	v11 =	vsub.s32 v11, v0;
	vm6 =	vlt.u32 v22, v2  }
0x6b: {  	s24 =	simm.s32 $0x0;
	s21 =	sadd.s32 $0xFFFFFF10, s13;
	s7 =	sadd.s32 $0xFFFFFF20, s13;
	v23 =	vld [tilespmem:s0+$0x20];
	v9 =	vsub.s32 v12, v0;
	v10 =	vsub.s32 v13, v0;
	vm1 =	vlt.u32 v11, v2  }
0x6c: {  	s14 =	sadd.s32 $0xFFFFFF30, s13;
	s20 =	sadd.s32 $0xFFFFFF40, s13;
	s31 =	sadd.s32 $0xFFFFFF50, s13;
	v17 =	vld [tilespmem:s0+$0x30];
	v13 =	vsub.s32 v16, v0;
	vm0 =	vlt.u32 v9, v2;
	v12 =	vsub.s32 v8, v0  }
0x6d: {  	s19 =	sadd.s32 $0xFFFFFF80, s13;
	s17 =	sadd.s32 $0xFFFFFFA0, s13;
	s18 =	sadd.s32 $0xFFFFFFB0, s13;
	v18 =	vld [tilespmem:s0+$0x40];
	v16 =	vor.u32 s7, v1;
	vm2 =	vlt.u32 v10, v2;
	vm3 =	vlt.u32 v12, v2  }
0x6e: {  	s16 =	sadd.s32 $0xFFFFFFC0, s13;
	s28 =	smov.u32 s13;
	s15 =	sadd.s32 s4, s25;
	v8 =	vor.u32 s21, v1;
	[tilespmem:v14+s8+$0x0] =	vst.idx.msk vm4, v21;
	vm4 =	vlt.u32 v13, v2;
	v14 =	vsub.s32 v19, v0;
	v19 =	vld [tilespmem:s0+$0x50]  }
0x6f: {  	s3 =	sadd.s32 $0xFFFFFF70, s13;
	s7 =	sadd.s32 $0xFFFFFF90, s13;
	s21 =	sadd.s32 $0xFFFFFF60, s13;
	[tilespmem:v15+s8+$0x0] =	vst.idx.msk vm5, v16;
	v16 =	vor.u32 s14, v1;
	v15 =	vsub.s32 v20, v0;
	v20 =	vld [tilespmem:s0+$0x60];
	vm5 =	vlt.u32 v14, v2  }
0x70: {  	v21 =	vld [tilespmem:s0+$0xFFFFFF80];
	s14 =	sadd.s32 $0xFFFFFFE0, s13;
	s0 =	simm.s32 $0x180;
	[tilespmem:v22+s8+$0x0] =	vst.idx.msk vm6, v16;
	v22 =	vor.u32 s20, v1;
	vm6 =	vlt.u32 v15, v2;
	v16 =	vsub.s32 v23, v0;
	s20 =	sadd.s32 $0xFFFFFFD0, s13  }
.LBB2_7:
0x71: {  	v23 =	vld [tilespmem:s0+$0x70];
	s24 =	sadd.s32 $0x10, s24;
	[tilespmem:v11+s8+$0x0] =	vst.idx.msk vm1, v22;
	v11 =	vor.u32 s31, v1;
	vm1 =	vlt.u32 v16, v2;
	v17 =	vsub.s32 v17, v0;
	s31 =	sadd.s32 $0xFFFFFFF0, s28  }
0x72: {  	v22 =	vld [tilespmem:s0+$0xFFFFFF90];
	p3 =	slt.u32 s24, $0x260;
	[tilespmem:v9+s8+$0x0] =	vst.idx.msk vm0, v11;
	v9 =	vor.u32 s21, v1;
	vm0 =	vlt.u32 v17, v2;
	v18 =	vsub.s32 v18, v0  }
0x73: {  	v11 =	vld [tilespmem:s0+$0xFFFFFFA0];
	[tilespmem:v10+s8+$0x0] =	vst.idx.msk vm2, v9;
	v9 =	vor.u32 s3, v1;
	vm2 =	vlt.u32 v18, v2;
	v19 =	vsub.s32 v19, v0  }
0x74: {  	v10 =	vld [tilespmem:s0+$0xFFFFFFB0];
	[tilespmem:v12+s8+$0x0] =	vst.idx.msk vm3, v9;
	v9 =	vor.u32 s19, v1;
	vm8 =	vlt.u32 v19, v2;
	v20 =	vsub.s32 v20, v0  }
0x75: {  	v12 =	vld [tilespmem:s0+$0xFFFFFFC0];
	v21 =	vsub.s32 v21, v0;
	[tilespmem:v13+s8+$0x0] =	vst.idx.msk vm4, v9;
	v9 =	vor.u32 s7, v1;
	vm7 =	vlt.u32 v20, v2  }
0x76: {  	v13 =	vld [tilespmem:s0+$0xFFFFFFD0];
	v23 =	vsub.s32 v23, v0;
	vm3 =	vlt.u32 v21, v2;
	[tilespmem:v14+s8+$0x0] =	vst.idx.msk vm5, v9;
	v9 =	vor.u32 s17, v1  }
0x77: {  	v22 =	vsub.s32 v22, v0;
	v14 =	vld [tilespmem:s0+$0xFFFFFFE0];
	vm4 =	vlt.u32 v23, v2;
	[tilespmem:v15+s8+$0x0] =	vst.idx.msk vm6, v9;
	v9 =	vor.u32 s18, v1  }
0x78: {  	vm5 =	vlt.u32 v22, v2;
	v24 =	vsub.s32 v11, v0;
	v15 =	vld [tilespmem:s0+$0xFFFFFFF0];
	[tilespmem:v16+s8+$0x0] =	vst.idx.msk vm1, v9;
	v9 =	vor.u32 s16, v1  }
0x79: {  	vm6 =	vlt.u32 v24, v2;
	v11 =	vsub.s32 v10, v0;
	v16 =	vld [tilespmem:s0+$0x0];
	[tilespmem:v17+s8+$0x0] =	vst.idx.msk vm0, v9;
	v10 =	vor.u32 s20, v1  }
0x7a: {  	s28 =	sadd.s32 $0x100, s28;
	vm1 =	vlt.u32 v11, v2;
	v9 =	vsub.s32 v12, v0;
	v25 =	vld [tilespmem:s0+$0x10];
	[tilespmem:v18+s8+$0x0] =	vst.idx.msk vm2, v10;
	v12 =	vor.u32 s14, v1  }
0x7b: {  	v27 =	vor.u32 s31, v1;
	s3 =	sadd.s32 $0xFFFFFF10, s28;
	vm0 =	vlt.u32 v9, v2;
	v10 =	vsub.s32 v13, v0;
	v26 =	vld [tilespmem:s0+$0x20];
	[tilespmem:v19+s8+$0x0] =	vst.idx.msk vm8, v12  }
.Ltmp2:
0x7c: {  	s7 =	sadd.s32 $0xFFFFFF20, s28;
	s14 =	sadd.s32 $0xFFFFFF30, s28;
	vm2 =	vlt.u32 v10, v2;
	v12 =	vsub.s32 v14, v0;
	v17 =	vld [tilespmem:s0+$0x30];
	v14 =	vor.u32 s28, v1;
	[tilespmem:v21+s8+$0x0] =	vst.idx.msk vm3, v8;
	(pc) =	sbr.rel @p3 .LBB2_7-.Ltmp2, $4  }
0x7d: {  	s31 =	sadd.s32 $0xFFFFFF50, s28;
	s21 =	sadd.s32 $0xFFFFFF60, s28;
	s20 =	sadd.s32 $0xFFFFFF40, s28;
	v8 =	vor.u32 s3, v1;
	vm3 =	vlt.u32 v12, v2;
	v13 =	vsub.s32 v15, v0;
	v18 =	vld [tilespmem:s0+$0x40];
	[tilespmem:v23+s8+$0x0] =	vst.idx.msk vm4, v14  }
0x7e: {  	s19 =	sadd.s32 $0xFFFFFF80, s28;
	s3 =	sadd.s32 $0xFFFFFF70, s28;
	v15 =	vor.u32 s7, v1;
	s7 =	sadd.s32 $0xFFFFFF90, s28;
	vm4 =	vlt.u32 v13, v2;
	v14 =	vsub.s32 v16, v0;
	v19 =	vld [tilespmem:s0+$0x50];
	[tilespmem:v20+s8+$0x0] =	vst.idx.msk vm7, v27  }
0x7f: {  	s17 =	sadd.s32 $0xFFFFFFA0, s28;
	s18 =	sadd.s32 $0xFFFFFFB0, s28;
	s16 =	sadd.s32 $0xFFFFFFC0, s28;
	v16 =	vor.u32 s14, v1;
	[tilespmem:v22+s8+$0x0] =	vst.idx.msk vm5, v15;
	vm5 =	vlt.u32 v14, v2;
	v15 =	vsub.s32 v25, v0;
	v20 =	vld [tilespmem:s0+$0x60]  }
0x80: {  	s14 =	sadd.s32 $0xFFFFFFE0, s28;
	v22 =	vor.u32 s20, v1;
	s20 =	sadd.s32 $0xFFFFFFD0, s28;
	v21 =	vld [tilespmem:s0+$0xFFFFFF80];
	[tilespmem:v24+s8+$0x0] =	vst.idx.msk vm6, v16;
	vm6 =	vlt.u32 v15, v2;
	v16 =	vsub.s32 v26, v0;
	s0 =	sadd.s32 $0x100, s0  }
0x81: {  	_ =	sdelay $0x4  }
0x82: {  	[tilespmem:v11+s8+$0x0] =	vst.idx.msk vm1, v22;
	v11 =	vor.u32 s31, v1  }
0x83: {  	vm1 =	vlt.u32 v16, v2;
	v17 =	vsub.s32 v17, v0;
	[tilespmem:v9+s8+$0x0] =	vst.idx.msk vm0, v11;
	v9 =	vor.u32 s21, v1  }
0x84: {  	vm0 =	vlt.u32 v17, v2;
	v11 =	vsub.s32 v18, v0;
	[tilespmem:v10+s8+$0x0] =	vst.idx.msk vm2, v9;
	v9 =	vor.u32 s3, v1  }
0x85: {  	vm2 =	vlt.u32 v11, v2;
	v10 =	vsub.s32 v19, v0;
	[tilespmem:v12+s8+$0x0] =	vst.idx.msk vm3, v9;
	v9 =	vor.u32 s19, v1  }
0x86: {  	vm3 =	vlt.u32 v10, v2;
	v12 =	vsub.s32 v21, v0;
	[tilespmem:v13+s8+$0x0] =	vst.idx.msk vm4, v9;
	v9 =	vor.u32 s7, v1  }
0x87: {  	v13 =	vsub.s32 v20, v0;
	vm4 =	vlt.u32 v12, v2;
	[tilespmem:v14+s8+$0x0] =	vst.idx.msk vm5, v9;
	v9 =	vor.u32 s17, v1  }
0x88: {  	vm5 =	vlt.u32 v13, v2;
	[tilespmem:v15+s8+$0x0] =	vst.idx.msk vm6, v9;
	v9 =	vor.u32 s18, v1  }
0x89: {  	[tilespmem:v16+s8+$0x0] =	vst.idx.msk vm1, v9;
	v9 =	vor.u32 s16, v1  }
0x8a: {  	[tilespmem:v17+s8+$0x0] =	vst.idx.msk vm0, v9;
	v9 =	vor.u32 s20, v1  }
0x8b: {  	[tilespmem:v11+s8+$0x0] =	vst.idx.msk vm2, v9;
	v9 =	vor.u32 s14, v1  }
0x8c: {  	s0 =	sadd.s32 $0xFFFFFFF0, s28;
	[tilespmem:v10+s8+$0x0] =	vst.idx.msk vm3, v9  }
0x8d: {  	v9 =	vor.u32 s0, v1;
	[tilespmem:v12+s8+$0x0] =	vst.idx.msk vm4, v8  }
0x8e: {  	[tilespmem:v13+s8+$0x0] =	vst.idx.msk vm5, v9  }
0x8f: {  	v8 =	vld [tilespmem:$0x2700];
	_ =	sdelay $0x4  }
0x90: {  	v8 =	vsub.s32 v8, v0  }
0x91: {  	vm0 =	vlt.u32 v8, v2;
	_ =	sdelay $0x3  }
0x92: {  	s7 =	sadd.s32 $0x2700, s15;
	s14 =	sadd.s32 s25, s10  }
0x93: {  	s15 =	sshrl.u32 s14, $0x3;
	v9 =	vor.u32 s7, v1  }
0x94: {  	s0 =	sadd.s32 s1, s15;
	[tilespmem:v8+s8+$0x0] =	vst.idx.msk vm0, v9  }
0x95: {  	[tilespmem:s2], [sflag:$0x1] =	stream.linear.gather [hbm4b:s0+s2], $0x2710, $0x38;
	[tilespmem:$0x1E530] =	vst v63  }
0x96: {  	_ =	swait.ge [sflag:s11], $0x2710  }
0x97: {  	[sflag:s11] =	ssyncset.done $0x0  }
0x98: {  	s0 =	simm.s32 $0x2800;
	[sflag:s11] =	ssyncadd.s32 $0xFFFFD8F0  }
0x99: {  	v8 =	vld [tilespmem:s0+$0x70]  }
0x9a: {  	v9 =	vld [tilespmem:s0+$0xFFFFFF90]  }
0x9b: {  	v10 =	vld [tilespmem:s0+$0xFFFFFFA0]  }
0x9c: {  	v11 =	vld [tilespmem:s0+$0xFFFFFFB0]  }
0x9d: {  	v12 =	vld [tilespmem:s0+$0xFFFFFFC0]  }
0x9e: {  	v13 =	vld [tilespmem:s0+$0xFFFFFFD0]  }
0x9f: {  	v16 =	vld [tilespmem:s0+$0xFFFFFFF0]  }
0xa0: {  	v14 =	vsub.s32 v8, v0;
	v8 =	vld [tilespmem:s0+$0xFFFFFFE0]  }
0xa1: {  	v15 =	vsub.s32 v9, v0;
	vm4 =	vlt.u32 v14, v2  }
0xa2: {  	v19 =	vld [tilespmem:s0+$0x0];
	v22 =	vsub.s32 v10, v0;
	vm5 =	vlt.u32 v15, v2  }
0xa3: {  	v21 =	vor.u32 s29, v1;
	v20 =	vld [tilespmem:s0+$0x10];
	v11 =	vsub.s32 v11, v0;
	vm6 =	vlt.u32 v22, v2  }
0xa4: {  	s24 =	simm.s32 $0x0;
	s31 =	sadd.s32 $0xFFFFFF50, s29;
	s28 =	smov.u32 s29;
	v23 =	vld [tilespmem:s0+$0x20];
	v9 =	vsub.s32 v12, v0;
	v10 =	vsub.s32 v13, v0;
	vm1 =	vlt.u32 v11, v2  }
0xa5: {  	s21 =	sadd.s32 $0xFFFFFF60, s29;
	s3 =	sadd.s32 $0xFFFFFF70, s29;
	s17 =	sadd.s32 $0xFFFFFF20, s29;
	v17 =	vld [tilespmem:s0+$0x30];
	v13 =	vsub.s32 v16, v0;
	vm0 =	vlt.u32 v9, v2;
	v12 =	vsub.s32 v8, v0  }
0xa6: {  	s19 =	sadd.s32 $0xFFFFFF80, s29;
	s18 =	sadd.s32 $0xFFFFFF30, s29;
	s16 =	sadd.s32 $0xFFFFFF10, s29;
	v18 =	vld [tilespmem:s0+$0x40];
	v16 =	vor.u32 s17, v1;
	vm2 =	vlt.u32 v10, v2;
	vm3 =	vlt.u32 v12, v2  }
0xa7: {  	s20 =	sadd.s32 $0xFFFFFF40, s29;
	s14 =	sadd.s32 $0xFFFFFFE0, s29;
	s15 =	sadd.s32 s25, s6;
	v8 =	vor.u32 s16, v1;
	[tilespmem:v14+s8+$0x0] =	vst.idx.msk vm4, v21;
	vm4 =	vlt.u32 v13, v2;
	v14 =	vsub.s32 v19, v0;
	v19 =	vld [tilespmem:s0+$0x50]  }
0xa8: {  	s7 =	sadd.s32 $0xFFFFFF90, s29;
	s17 =	sadd.s32 $0xFFFFFFA0, s29;
	s16 =	sadd.s32 $0xFFFFFFC0, s29;
	[tilespmem:v15+s8+$0x0] =	vst.idx.msk vm5, v16;
	v16 =	vor.u32 s18, v1;
	v15 =	vsub.s32 v20, v0;
	v20 =	vld [tilespmem:s0+$0x60];
	vm5 =	vlt.u32 v14, v2  }
0xa9: {  	s18 =	sadd.s32 $0xFFFFFFB0, s29;
	v21 =	vld [tilespmem:s0+$0xFFFFFF80];
	s0 =	simm.s32 $0x2900;
	[tilespmem:v22+s8+$0x0] =	vst.idx.msk vm6, v16;
	v22 =	vor.u32 s20, v1;
	vm6 =	vlt.u32 v15, v2;
	v16 =	vsub.s32 v23, v0;
	s20 =	sadd.s32 $0xFFFFFFD0, s29  }
.LBB2_9:
0xaa: {  	v23 =	vld [tilespmem:s0+$0x70];
	s24 =	sadd.s32 $0x10, s24;
	[tilespmem:v11+s8+$0x0] =	vst.idx.msk vm1, v22;
	v11 =	vor.u32 s31, v1;
	vm1 =	vlt.u32 v16, v2;
	v17 =	vsub.s32 v17, v0;
	s31 =	sadd.s32 $0xFFFFFFF0, s28  }
0xab: {  	v22 =	vld [tilespmem:s0+$0xFFFFFF90];
	p3 =	slt.u32 s24, $0x260;
	[tilespmem:v9+s8+$0x0] =	vst.idx.msk vm0, v11;
	v9 =	vor.u32 s21, v1;
	vm0 =	vlt.u32 v17, v2;
	v18 =	vsub.s32 v18, v0  }
0xac: {  	v11 =	vld [tilespmem:s0+$0xFFFFFFA0];
	[tilespmem:v10+s8+$0x0] =	vst.idx.msk vm2, v9;
	v9 =	vor.u32 s3, v1;
	vm2 =	vlt.u32 v18, v2;
	v19 =	vsub.s32 v19, v0  }
0xad: {  	v10 =	vld [tilespmem:s0+$0xFFFFFFB0];
	[tilespmem:v12+s8+$0x0] =	vst.idx.msk vm3, v9;
	v9 =	vor.u32 s19, v1;
	vm8 =	vlt.u32 v19, v2;
	v20 =	vsub.s32 v20, v0  }
0xae: {  	v12 =	vld [tilespmem:s0+$0xFFFFFFC0];
	v21 =	vsub.s32 v21, v0;
	[tilespmem:v13+s8+$0x0] =	vst.idx.msk vm4, v9;
	v9 =	vor.u32 s7, v1;
	vm7 =	vlt.u32 v20, v2  }
0xaf: {  	v13 =	vld [tilespmem:s0+$0xFFFFFFD0];
	v23 =	vsub.s32 v23, v0;
	vm3 =	vlt.u32 v21, v2;
	[tilespmem:v14+s8+$0x0] =	vst.idx.msk vm5, v9;
	v9 =	vor.u32 s17, v1  }
0xb0: {  	v22 =	vsub.s32 v22, v0;
	v14 =	vld [tilespmem:s0+$0xFFFFFFE0];
	vm4 =	vlt.u32 v23, v2;
	[tilespmem:v15+s8+$0x0] =	vst.idx.msk vm6, v9;
	v9 =	vor.u32 s18, v1  }
0xb1: {  	vm5 =	vlt.u32 v22, v2;
	v24 =	vsub.s32 v11, v0;
	v15 =	vld [tilespmem:s0+$0xFFFFFFF0];
	[tilespmem:v16+s8+$0x0] =	vst.idx.msk vm1, v9;
	v9 =	vor.u32 s16, v1  }
0xb2: {  	vm6 =	vlt.u32 v24, v2;
	v11 =	vsub.s32 v10, v0;
	v16 =	vld [tilespmem:s0+$0x0];
	[tilespmem:v17+s8+$0x0] =	vst.idx.msk vm0, v9;
	v10 =	vor.u32 s20, v1  }
0xb3: {  	s28 =	sadd.s32 $0x100, s28;
	vm1 =	vlt.u32 v11, v2;
	v9 =	vsub.s32 v12, v0;
	v25 =	vld [tilespmem:s0+$0x10];
	[tilespmem:v18+s8+$0x0] =	vst.idx.msk vm2, v10;
	v12 =	vor.u32 s14, v1  }
0xb4: {  	v27 =	vor.u32 s31, v1;
	s3 =	sadd.s32 $0xFFFFFF10, s28;
	vm0 =	vlt.u32 v9, v2;
	v10 =	vsub.s32 v13, v0;
	v26 =	vld [tilespmem:s0+$0x20];
	[tilespmem:v19+s8+$0x0] =	vst.idx.msk vm8, v12  }
.Ltmp3:
0xb5: {  	s7 =	sadd.s32 $0xFFFFFF20, s28;
	s14 =	sadd.s32 $0xFFFFFF30, s28;
	vm2 =	vlt.u32 v10, v2;
	v12 =	vsub.s32 v14, v0;
	v17 =	vld [tilespmem:s0+$0x30];
	v14 =	vor.u32 s28, v1;
	[tilespmem:v21+s8+$0x0] =	vst.idx.msk vm3, v8;
	(pc) =	sbr.rel @p3 .LBB2_9-.Ltmp3, $4  }
0xb6: {  	s31 =	sadd.s32 $0xFFFFFF50, s28;
	s21 =	sadd.s32 $0xFFFFFF60, s28;
	s20 =	sadd.s32 $0xFFFFFF40, s28;
	v8 =	vor.u32 s3, v1;
	vm3 =	vlt.u32 v12, v2;
	v13 =	vsub.s32 v15, v0;
	v18 =	vld [tilespmem:s0+$0x40];
	[tilespmem:v23+s8+$0x0] =	vst.idx.msk vm4, v14  }
0xb7: {  	s19 =	sadd.s32 $0xFFFFFF80, s28;
	s3 =	sadd.s32 $0xFFFFFF70, s28;
	v15 =	vor.u32 s7, v1;
	s7 =	sadd.s32 $0xFFFFFF90, s28;
	vm4 =	vlt.u32 v13, v2;
	v14 =	vsub.s32 v16, v0;
	v19 =	vld [tilespmem:s0+$0x50];
	[tilespmem:v20+s8+$0x0] =	vst.idx.msk vm7, v27  }
0xb8: {  	s17 =	sadd.s32 $0xFFFFFFA0, s28;
	s18 =	sadd.s32 $0xFFFFFFB0, s28;
	s16 =	sadd.s32 $0xFFFFFFC0, s28;
	v16 =	vor.u32 s14, v1;
	[tilespmem:v22+s8+$0x0] =	vst.idx.msk vm5, v15;
	vm5 =	vlt.u32 v14, v2;
	v15 =	vsub.s32 v25, v0;
	v20 =	vld [tilespmem:s0+$0x60]  }
0xb9: {  	s14 =	sadd.s32 $0xFFFFFFE0, s28;
	v22 =	vor.u32 s20, v1;
	s20 =	sadd.s32 $0xFFFFFFD0, s28;
	v21 =	vld [tilespmem:s0+$0xFFFFFF80];
	[tilespmem:v24+s8+$0x0] =	vst.idx.msk vm6, v16;
	vm6 =	vlt.u32 v15, v2;
	v16 =	vsub.s32 v26, v0;
	s0 =	sadd.s32 $0x100, s0  }
0xba: {  	_ =	sdelay $0x4  }
0xbb: {  	[tilespmem:v11+s8+$0x0] =	vst.idx.msk vm1, v22;
	v11 =	vor.u32 s31, v1  }
0xbc: {  	vm1 =	vlt.u32 v16, v2;
	v17 =	vsub.s32 v17, v0;
	[tilespmem:v9+s8+$0x0] =	vst.idx.msk vm0, v11;
	v9 =	vor.u32 s21, v1  }
0xbd: {  	vm0 =	vlt.u32 v17, v2;
	v11 =	vsub.s32 v18, v0;
	[tilespmem:v10+s8+$0x0] =	vst.idx.msk vm2, v9;
	v9 =	vor.u32 s3, v1  }
0xbe: {  	vm2 =	vlt.u32 v11, v2;
	v10 =	vsub.s32 v19, v0;
	[tilespmem:v12+s8+$0x0] =	vst.idx.msk vm3, v9;
	v9 =	vor.u32 s19, v1  }
0xbf: {  	vm3 =	vlt.u32 v10, v2;
	v12 =	vsub.s32 v21, v0;
	[tilespmem:v13+s8+$0x0] =	vst.idx.msk vm4, v9;
	v9 =	vor.u32 s7, v1  }
0xc0: {  	v13 =	vsub.s32 v20, v0;
	vm4 =	vlt.u32 v12, v2;
	[tilespmem:v14+s8+$0x0] =	vst.idx.msk vm5, v9;
	v9 =	vor.u32 s17, v1  }
0xc1: {  	vm5 =	vlt.u32 v13, v2;
	[tilespmem:v15+s8+$0x0] =	vst.idx.msk vm6, v9;
	v9 =	vor.u32 s18, v1  }
0xc2: {  	[tilespmem:v16+s8+$0x0] =	vst.idx.msk vm1, v9;
	v9 =	vor.u32 s16, v1  }
0xc3: {  	[tilespmem:v17+s8+$0x0] =	vst.idx.msk vm0, v9;
	v9 =	vor.u32 s20, v1  }
0xc4: {  	[tilespmem:v11+s8+$0x0] =	vst.idx.msk vm2, v9;
	v9 =	vor.u32 s14, v1  }
0xc5: {  	s0 =	sadd.s32 $0xFFFFFFF0, s28;
	[tilespmem:v10+s8+$0x0] =	vst.idx.msk vm3, v9  }
0xc6: {  	v9 =	vor.u32 s0, v1;
	[tilespmem:v12+s8+$0x0] =	vst.idx.msk vm4, v8  }
0xc7: {  	[tilespmem:v13+s8+$0x0] =	vst.idx.msk vm5, v9  }
0xc8: {  	v8 =	vld [tilespmem:$0x4E80];
	_ =	sdelay $0x4  }
0xc9: {  	v8 =	vsub.s32 v8, v0  }
0xca: {  	vm0 =	vlt.u32 v8, v2;
	_ =	sdelay $0x2  }
0xcb: {  	p3 =	seq.s32 s23, $0x7  }
0xcc: {  	s3 =	sadd.s32 @!p3 s25, s22;
	s19 =	sadd.s32 $0x2700, s15  }
0xcd: {  	s0 =	sshrl.u32 @!p3 s3, $0x3;
	v9 =	vor.u32 s19, v1  }
0xce: {  	s7 =	simm.s32 @!p3 $0x2780;
	s3 =	simm.s32 @!p3 $0x0;
	s0 =	sadd.s32 @!p3 s1, s0;
	[tilespmem:v8+s8+$0x0] =	vst.idx.msk vm0, v9  }
0xcf: {  	[tilespmem:s7], [sflag:$0x2] =	stream.linear.gather @!p3 [hbm4b:s0+s3], $0x2710, $0x38;
	[tilespmem:$0x1E530] =	vst v63  }
0xd0: {  	_ =	swait.ge [sflag:s12], $0x2710  }
0xd1: {  	[sflag:s12] =	ssyncset.done $0x0  }
0xd2: {  	s20 =	simm.s32 $0x4F80;
	[sflag:s12] =	ssyncadd.s32 $0xFFFFD8F0  }
0xd3: {  	v8 =	vld [tilespmem:s20+$0x70]  }
0xd4: {  	v9 =	vld [tilespmem:s20+$0xFFFFFF90]  }
0xd5: {  	v10 =	vld [tilespmem:s20+$0xFFFFFFA0]  }
0xd6: {  	v11 =	vld [tilespmem:s20+$0xFFFFFFB0]  }
0xd7: {  	v12 =	vld [tilespmem:s20+$0xFFFFFFC0]  }
0xd8: {  	v13 =	vld [tilespmem:s20+$0xFFFFFFD0]  }
0xd9: {  	v16 =	vld [tilespmem:s20+$0xFFFFFFF0]  }
0xda: {  	v14 =	vsub.s32 v8, v0;
	v8 =	vld [tilespmem:s20+$0xFFFFFFE0]  }
0xdb: {  	v15 =	vsub.s32 v9, v0;
	vm4 =	vlt.u32 v14, v2  }
0xdc: {  	v19 =	vld [tilespmem:s20+$0x0];
	v22 =	vsub.s32 v10, v0;
	vm5 =	vlt.u32 v15, v2  }
0xdd: {  	v21 =	vor.u32 s30, v1;
	v20 =	vld [tilespmem:s20+$0x10];
	v11 =	vsub.s32 v11, v0;
	vm6 =	vlt.u32 v22, v2  }
0xde: {  	s24 =	sadd.s32 $0xFFFFFF20, s30;
	s28 =	sadd.s32 $0xFFFFFF30, s30;
	v23 =	vld [tilespmem:s20+$0x20];
	v9 =	vsub.s32 v12, v0;
	v10 =	vsub.s32 v13, v0;
	vm1 =	vlt.u32 v11, v2  }
0xdf: {  	s31 =	sadd.s32 $0xFFFFFF40, s30;
	s21 =	sadd.s32 $0xFFFFFF10, s30;
	s25 =	sadd.s32 $0xFFFFFF50, s30;
	v17 =	vld [tilespmem:s20+$0x30];
	v13 =	vsub.s32 v16, v0;
	vm0 =	vlt.u32 v9, v2;
	v12 =	vsub.s32 v8, v0  }
0xe0: {  	s15 =	simm.s32 $0x0;
	s17 =	sadd.s32 $0xFFFFFFA0, s30;
	s18 =	sadd.s32 $0xFFFFFFB0, s30;
	v18 =	vld [tilespmem:s20+$0x40];
	v16 =	vor.u32 s24, v1;
	vm2 =	vlt.u32 v10, v2;
	vm3 =	vlt.u32 v12, v2  }
0xe1: {  	s16 =	sadd.s32 $0xFFFFFFC0, s30;
	s14 =	sadd.s32 $0xFFFFFFE0, s30;
	s19 =	sadd.s32 $0xFFFFFF80, s30;
	v8 =	vor.u32 s21, v1;
	[tilespmem:v14+s8+$0x0] =	vst.idx.msk vm4, v21;
	vm4 =	vlt.u32 v13, v2;
	v14 =	vsub.s32 v19, v0;
	v19 =	vld [tilespmem:s20+$0x50]  }
0xe2: {  	s3 =	sadd.s32 $0xFFFFFF70, s30;
	s7 =	sadd.s32 $0xFFFFFF90, s30;
	s0 =	simm.s32 $0x5080;
	[tilespmem:v15+s8+$0x0] =	vst.idx.msk vm5, v16;
	v16 =	vor.u32 s28, v1;
	v15 =	vsub.s32 v20, v0;
	v20 =	vld [tilespmem:s20+$0x60];
	vm5 =	vlt.u32 v14, v2  }
0xe3: {  	s24 =	smov.u32 s30;
	s21 =	sadd.s32 $0xFFFFFF60, s30;
	v21 =	vld [tilespmem:s20+$0xFFFFFF80];
	s20 =	sadd.s32 $0xFFFFFFD0, s30;
	[tilespmem:v22+s8+$0x0] =	vst.idx.msk vm6, v16;
	v22 =	vor.u32 s31, v1;
	vm6 =	vlt.u32 v15, v2;
	v16 =	vsub.s32 v23, v0  }
.LBB2_11:
0xe4: {  	v23 =	vld [tilespmem:s0+$0x70];
	s15 =	sadd.s32 $0x10, s15;
	[tilespmem:v11+s8+$0x0] =	vst.idx.msk vm1, v22;
	v11 =	vor.u32 s25, v1;
	vm1 =	vlt.u32 v16, v2;
	v17 =	vsub.s32 v17, v0;
	s25 =	sadd.s32 $0xFFFFFFF0, s24  }
0xe5: {  	v22 =	vld [tilespmem:s0+$0xFFFFFF90];
	p3 =	slt.u32 s15, $0x260;
	[tilespmem:v9+s8+$0x0] =	vst.idx.msk vm0, v11;
	v9 =	vor.u32 s21, v1;
	vm0 =	vlt.u32 v17, v2;
	v18 =	vsub.s32 v18, v0  }
0xe6: {  	v11 =	vld [tilespmem:s0+$0xFFFFFFA0];
	[tilespmem:v10+s8+$0x0] =	vst.idx.msk vm2, v9;
	v9 =	vor.u32 s3, v1;
	vm2 =	vlt.u32 v18, v2;
	v19 =	vsub.s32 v19, v0  }
0xe7: {  	v10 =	vld [tilespmem:s0+$0xFFFFFFB0];
	[tilespmem:v12+s8+$0x0] =	vst.idx.msk vm3, v9;
	v9 =	vor.u32 s19, v1;
	vm8 =	vlt.u32 v19, v2;
	v20 =	vsub.s32 v20, v0  }
0xe8: {  	v12 =	vld [tilespmem:s0+$0xFFFFFFC0];
	v21 =	vsub.s32 v21, v0;
	[tilespmem:v13+s8+$0x0] =	vst.idx.msk vm4, v9;
	v9 =	vor.u32 s7, v1;
	vm7 =	vlt.u32 v20, v2  }
0xe9: {  	v13 =	vld [tilespmem:s0+$0xFFFFFFD0];
	v23 =	vsub.s32 v23, v0;
	vm3 =	vlt.u32 v21, v2;
	[tilespmem:v14+s8+$0x0] =	vst.idx.msk vm5, v9;
	v9 =	vor.u32 s17, v1  }
0xea: {  	v22 =	vsub.s32 v22, v0;
	v14 =	vld [tilespmem:s0+$0xFFFFFFE0];
	vm4 =	vlt.u32 v23, v2;
	[tilespmem:v15+s8+$0x0] =	vst.idx.msk vm6, v9;
	v9 =	vor.u32 s18, v1  }
0xeb: {  	vm5 =	vlt.u32 v22, v2;
	v24 =	vsub.s32 v11, v0;
	v15 =	vld [tilespmem:s0+$0xFFFFFFF0];
	[tilespmem:v16+s8+$0x0] =	vst.idx.msk vm1, v9;
	v9 =	vor.u32 s16, v1  }
0xec: {  	vm6 =	vlt.u32 v24, v2;
	v11 =	vsub.s32 v10, v0;
	v16 =	vld [tilespmem:s0+$0x0];
	[tilespmem:v17+s8+$0x0] =	vst.idx.msk vm0, v9;
	v10 =	vor.u32 s20, v1  }
0xed: {  	s24 =	sadd.s32 $0x100, s24;
	vm1 =	vlt.u32 v11, v2;
	v9 =	vsub.s32 v12, v0;
	v25 =	vld [tilespmem:s0+$0x10];
	[tilespmem:v18+s8+$0x0] =	vst.idx.msk vm2, v10;
	v12 =	vor.u32 s14, v1  }
0xee: {  	v27 =	vor.u32 s25, v1;
	s3 =	sadd.s32 $0xFFFFFF10, s24;
	vm0 =	vlt.u32 v9, v2;
	v10 =	vsub.s32 v13, v0;
	v26 =	vld [tilespmem:s0+$0x20];
	[tilespmem:v19+s8+$0x0] =	vst.idx.msk vm8, v12  }
.Ltmp4:
0xef: {  	s7 =	sadd.s32 $0xFFFFFF20, s24;
	s14 =	sadd.s32 $0xFFFFFF30, s24;
	vm2 =	vlt.u32 v10, v2;
	v12 =	vsub.s32 v14, v0;
	v17 =	vld [tilespmem:s0+$0x30];
	v14 =	vor.u32 s24, v1;
	[tilespmem:v21+s8+$0x0] =	vst.idx.msk vm3, v8;
	(pc) =	sbr.rel @p3 .LBB2_11-.Ltmp4, $4  }
0xf0: {  	s25 =	sadd.s32 $0xFFFFFF50, s24;
	s21 =	sadd.s32 $0xFFFFFF60, s24;
	s20 =	sadd.s32 $0xFFFFFF40, s24;
	v8 =	vor.u32 s3, v1;
	vm3 =	vlt.u32 v12, v2;
	v13 =	vsub.s32 v15, v0;
	v18 =	vld [tilespmem:s0+$0x40];
	[tilespmem:v23+s8+$0x0] =	vst.idx.msk vm4, v14  }
0xf1: {  	s19 =	sadd.s32 $0xFFFFFF80, s24;
	s3 =	sadd.s32 $0xFFFFFF70, s24;
	v15 =	vor.u32 s7, v1;
	s7 =	sadd.s32 $0xFFFFFF90, s24;
	vm4 =	vlt.u32 v13, v2;
	v14 =	vsub.s32 v16, v0;
	v19 =	vld [tilespmem:s0+$0x50];
	[tilespmem:v20+s8+$0x0] =	vst.idx.msk vm7, v27  }
0xf2: {  	s17 =	sadd.s32 $0xFFFFFFA0, s24;
	s18 =	sadd.s32 $0xFFFFFFB0, s24;
	s16 =	sadd.s32 $0xFFFFFFC0, s24;
	v16 =	vor.u32 s14, v1;
	[tilespmem:v22+s8+$0x0] =	vst.idx.msk vm5, v15;
	vm5 =	vlt.u32 v14, v2;
	v15 =	vsub.s32 v25, v0;
	v20 =	vld [tilespmem:s0+$0x60]  }
0xf3: {  	s14 =	sadd.s32 $0xFFFFFFE0, s24;
	v22 =	vor.u32 s20, v1;
	s20 =	sadd.s32 $0xFFFFFFD0, s24;
	v21 =	vld [tilespmem:s0+$0xFFFFFF80];
	[tilespmem:v24+s8+$0x0] =	vst.idx.msk vm6, v16;
	vm6 =	vlt.u32 v15, v2;
	v16 =	vsub.s32 v26, v0;
	s0 =	sadd.s32 $0x100, s0  }
0xf4: {  	_ =	sdelay $0x4  }
0xf5: {  	[tilespmem:v11+s8+$0x0] =	vst.idx.msk vm1, v22;
	v48 =	vor.u32 s25, v1  }
0xf6: {  	vm9 =	vlt.u32 v16, v2;
	v17 =	vsub.s32 v17, v0;
	v49 =	vor.u32 s21, v1;
	[tilespmem:v9+s8+$0x0] =	vst.idx.msk vm0, v48  }
0xf7: {  	v51 =	vor.u32 s3, v1;
	vm10 =	vlt.u32 v17, v2;
	v50 =	vsub.s32 v18, v0;
	[tilespmem:v10+s8+$0x0] =	vst.idx.msk vm2, v49  }
0xf8: {  	v53 =	vor.u32 s19, v1;
	[tilespmem:v12+s8+$0x0] =	vst.idx.msk vm3, v51;
	vm11 =	vlt.u32 v50, v2;
	v52 =	vsub.s32 v19, v0  }
0xf9: {  	v55 =	vor.u32 s7, v1;
	[tilespmem:v13+s8+$0x0] =	vst.idx.msk vm4, v53;
	vm12 =	vlt.u32 v52, v2;
	v56 =	vsub.s32 v20, v0  }
0xfa: {  	v57 =	vor.u32 s17, v1;
	[tilespmem:v14+s8+$0x0] =	vst.idx.msk vm5, v55;
	v54 =	vsub.s32 v21, v0;
	vm14 =	vlt.u32 v56, v2  }
0xfb: {  	v58 =	vor.u32 s18, v1;
	[tilespmem:v15+s8+$0x0] =	vst.idx.msk vm6, v57;
	vm13 =	vlt.u32 v54, v2  }
0xfc: {  	v59 =	vor.u32 s16, v1;
	[tilespmem:v16+s8+$0x0] =	vst.idx.msk vm9, v58  }
0xfd: {  	v60 =	vor.u32 s20, v1;
	[tilespmem:v17+s8+$0x0] =	vst.idx.msk vm10, v59  }
0xfe: {  	v61 =	vor.u32 s14, v1;
	s0 =	sadd.s32 $0xFFFFFFF0, s24;
	[tilespmem:v50+s8+$0x0] =	vst.idx.msk vm11, v60  }
0xff: {  	v62 =	vor.u32 s0, v1;
	[tilespmem:v52+s8+$0x0] =	vst.idx.msk vm12, v61  }
0x100: {  	[tilespmem:v56+s8+$0x0] =	vst.idx.msk vm14, v62  }
0x101: {  	[tilespmem:v54+s8+$0x0] =	vst.idx.msk vm13, v8  }
0x102: {  	v8 =	vld [tilespmem:$0x7600];
	_ =	sdelay $0x4  }
0x103: {  	v8 =	vsub.s32 v8, v0  }
0x104: {  	s23 =	sadd.s32 $0x1, s23;
	vm15 =	vlt.u32 v8, v2  }
0x105: {  	p3 =	sne.s32 s23, $0x8  }
.Ltmp5:
0x106: {  	_ = 	snop;
	(pc) =	sbr.rel @p3 .LBB2_6-.Ltmp5, $4  }
0x107: {  	_ = 	snop  }
0x108: {  	s31 =	sadd.s32 $0x2700, s26  }
0x109: {  	v63 =	vor.u32 s31, v1  }
0x10a: {  	s13 =	sadd.s32 $0x7530, s13;
	s29 =	sadd.s32 $0x7530, s29;
	s30 =	sadd.s32 $0x7530, s30;
	[tilespmem:v8+s8+$0x0] =	vst.idx.msk vm15, v63  }
0x10b: {  	_ =	swait.ge [sflag:s5], $0x2710  }
0x10c: {  	[sflag:s5] =	ssyncset.done $0x0  }
0x10d: {  	s0 =	simm.s32 $0x80;
	[sflag:s5] =	ssyncadd.s32 $0xFFFFD8F0  }
0x10e: {  	v8 =	vld [tilespmem:s0+$0x70]  }
0x10f: {  	v9 =	vld [tilespmem:s0+$0xFFFFFF90]  }
0x110: {  	v10 =	vld [tilespmem:s0+$0xFFFFFFA0]  }
0x111: {  	v11 =	vld [tilespmem:s0+$0xFFFFFFB0]  }
0x112: {  	v12 =	vld [tilespmem:s0+$0xFFFFFFC0]  }
0x113: {  	v13 =	vld [tilespmem:s0+$0xFFFFFFD0]  }
0x114: {  	v16 =	vld [tilespmem:s0+$0xFFFFFFF0]  }
0x115: {  	v14 =	vsub.s32 v8, v0;
	v8 =	vld [tilespmem:s0+$0xFFFFFFE0]  }
0x116: {  	v15 =	vsub.s32 v9, v0;
	vm4 =	vlt.u32 v14, v2  }
0x117: {  	s24 =	rddreg [dreg:$0x19];
	v19 =	vld [tilespmem:s0+$0x0];
	v22 =	vsub.s32 v10, v0;
	vm5 =	vlt.u32 v15, v2  }
0x118: {  	v21 =	vor.u32 s24, v1;
	v20 =	vld [tilespmem:s0+$0x10];
	v11 =	vsub.s32 v11, v0;
	vm6 =	vlt.u32 v22, v2  }
0x119: {  	s15 =	simm.s32 $0x0;
	s3 =	sadd.s32 $0xFFFFFF10, s24;
	v23 =	vld [tilespmem:s0+$0x20];
	v9 =	vsub.s32 v12, v0;
	v10 =	vsub.s32 v13, v0;
	vm1 =	vlt.u32 v11, v2  }
0x11a: {  	s7 =	sadd.s32 $0xFFFFFF20, s24;
	s13 =	sadd.s32 $0xFFFFFF30, s24;
	s14 =	sadd.s32 $0xFFFFFF40, s24;
	v17 =	vld [tilespmem:s0+$0x30];
	v13 =	vsub.s32 v16, v0;
	vm0 =	vlt.u32 v9, v2;
	v12 =	vsub.s32 v8, v0  }
0x11b: {  	s23 =	sadd.s32 $0xFFFFFF50, s24;
	s21 =	sadd.s32 $0xFFFFFF60, s24;
	s19 =	sadd.s32 $0xFFFFFF80, s24;
	v18 =	vld [tilespmem:s0+$0x40];
	v16 =	vor.u32 s7, v1;
	vm2 =	vlt.u32 v10, v2;
	vm3 =	vlt.u32 v12, v2  }
0x11c: {  	s17 =	sadd.s32 $0xFFFFFFA0, s24;
	s18 =	sadd.s32 $0xFFFFFFB0, s24;
	s16 =	sadd.s32 $0xFFFFFFC0, s24;
	v8 =	vor.u32 s3, v1;
	[tilespmem:v14+s8+$0x0] =	vst.idx.msk vm4, v21;
	vm4 =	vlt.u32 v13, v2;
	v14 =	vsub.s32 v19, v0;
	v19 =	vld [tilespmem:s0+$0x50]  }
0x11d: {  	s20 =	sadd.s32 $0xFFFFFFD0, s24;
	s7 =	sadd.s32 $0xFFFFFF90, s24;
	s3 =	sadd.s32 $0xFFFFFF70, s24;
	[tilespmem:v15+s8+$0x0] =	vst.idx.msk vm5, v16;
	v16 =	vor.u32 s13, v1;
	v15 =	vsub.s32 v20, v0;
	v20 =	vld [tilespmem:s0+$0x60];
	vm5 =	vlt.u32 v14, v2  }
0x11e: {  	v21 =	vld [tilespmem:s0+$0xFFFFFF80];
	s0 =	simm.s32 $0x180;
	s13 =	smov.u32 s24;
	[tilespmem:v22+s8+$0x0] =	vst.idx.msk vm6, v16;
	v22 =	vor.u32 s14, v1;
	vm6 =	vlt.u32 v15, v2;
	v16 =	vsub.s32 v23, v0;
	s14 =	sadd.s32 $0xFFFFFFE0, s24  }
.LBB2_14:
0x11f: {  	v23 =	vld [tilespmem:s0+$0x70];
	s15 =	sadd.s32 $0x10, s15;
	[tilespmem:v11+s8+$0x0] =	vst.idx.msk vm1, v22;
	v11 =	vor.u32 s23, v1;
	vm1 =	vlt.u32 v16, v2;
	v17 =	vsub.s32 v17, v0;
	s23 =	sadd.s32 $0xFFFFFFF0, s13  }
0x120: {  	v22 =	vld [tilespmem:s0+$0xFFFFFF90];
	p3 =	slt.u32 s15, $0x260;
	[tilespmem:v9+s8+$0x0] =	vst.idx.msk vm0, v11;
	v9 =	vor.u32 s21, v1;
	vm0 =	vlt.u32 v17, v2;
	v18 =	vsub.s32 v18, v0  }
0x121: {  	v11 =	vld [tilespmem:s0+$0xFFFFFFA0];
	[tilespmem:v10+s8+$0x0] =	vst.idx.msk vm2, v9;
	v9 =	vor.u32 s3, v1;
	vm2 =	vlt.u32 v18, v2;
	v19 =	vsub.s32 v19, v0  }
0x122: {  	v10 =	vld [tilespmem:s0+$0xFFFFFFB0];
	[tilespmem:v12+s8+$0x0] =	vst.idx.msk vm3, v9;
	v9 =	vor.u32 s19, v1;
	vm8 =	vlt.u32 v19, v2;
	v20 =	vsub.s32 v20, v0  }
0x123: {  	v12 =	vld [tilespmem:s0+$0xFFFFFFC0];
	v21 =	vsub.s32 v21, v0;
	[tilespmem:v13+s8+$0x0] =	vst.idx.msk vm4, v9;
	v9 =	vor.u32 s7, v1;
	vm7 =	vlt.u32 v20, v2  }
0x124: {  	v13 =	vld [tilespmem:s0+$0xFFFFFFD0];
	v23 =	vsub.s32 v23, v0;
	vm3 =	vlt.u32 v21, v2;
	[tilespmem:v14+s8+$0x0] =	vst.idx.msk vm5, v9;
	v9 =	vor.u32 s17, v1  }
0x125: {  	v22 =	vsub.s32 v22, v0;
	v14 =	vld [tilespmem:s0+$0xFFFFFFE0];
	vm4 =	vlt.u32 v23, v2;
	[tilespmem:v15+s8+$0x0] =	vst.idx.msk vm6, v9;
	v9 =	vor.u32 s18, v1  }
0x126: {  	vm5 =	vlt.u32 v22, v2;
	v24 =	vsub.s32 v11, v0;
	v15 =	vld [tilespmem:s0+$0xFFFFFFF0];
	[tilespmem:v16+s8+$0x0] =	vst.idx.msk vm1, v9;
	v9 =	vor.u32 s16, v1  }
0x127: {  	vm6 =	vlt.u32 v24, v2;
	v11 =	vsub.s32 v10, v0;
	v16 =	vld [tilespmem:s0+$0x0];
	[tilespmem:v17+s8+$0x0] =	vst.idx.msk vm0, v9;
	v10 =	vor.u32 s20, v1  }
0x128: {  	s13 =	sadd.s32 $0x100, s13;
	vm1 =	vlt.u32 v11, v2;
	v9 =	vsub.s32 v12, v0;
	v25 =	vld [tilespmem:s0+$0x10];
	[tilespmem:v18+s8+$0x0] =	vst.idx.msk vm2, v10;
	v12 =	vor.u32 s14, v1  }
0x129: {  	v27 =	vor.u32 s23, v1;
	s3 =	sadd.s32 $0xFFFFFF10, s13;
	vm0 =	vlt.u32 v9, v2;
	v10 =	vsub.s32 v13, v0;
	v26 =	vld [tilespmem:s0+$0x20];
	[tilespmem:v19+s8+$0x0] =	vst.idx.msk vm8, v12  }
.Ltmp6:
0x12a: {  	s7 =	sadd.s32 $0xFFFFFF20, s13;
	s14 =	sadd.s32 $0xFFFFFF30, s13;
	vm2 =	vlt.u32 v10, v2;
	v12 =	vsub.s32 v14, v0;
	v17 =	vld [tilespmem:s0+$0x30];
	v14 =	vor.u32 s13, v1;
	[tilespmem:v21+s8+$0x0] =	vst.idx.msk vm3, v8;
	(pc) =	sbr.rel @p3 .LBB2_14-.Ltmp6, $4  }
0x12b: {  	s23 =	sadd.s32 $0xFFFFFF50, s13;
	s21 =	sadd.s32 $0xFFFFFF60, s13;
	s20 =	sadd.s32 $0xFFFFFF40, s13;
	v8 =	vor.u32 s3, v1;
	vm3 =	vlt.u32 v12, v2;
	v13 =	vsub.s32 v15, v0;
	v18 =	vld [tilespmem:s0+$0x40];
	[tilespmem:v23+s8+$0x0] =	vst.idx.msk vm4, v14  }
0x12c: {  	s19 =	sadd.s32 $0xFFFFFF80, s13;
	s3 =	sadd.s32 $0xFFFFFF70, s13;
	v15 =	vor.u32 s7, v1;
	s7 =	sadd.s32 $0xFFFFFF90, s13;
	vm4 =	vlt.u32 v13, v2;
	v14 =	vsub.s32 v16, v0;
	v19 =	vld [tilespmem:s0+$0x50];
	[tilespmem:v20+s8+$0x0] =	vst.idx.msk vm7, v27  }
0x12d: {  	s17 =	sadd.s32 $0xFFFFFFA0, s13;
	s18 =	sadd.s32 $0xFFFFFFB0, s13;
	s16 =	sadd.s32 $0xFFFFFFC0, s13;
	v16 =	vor.u32 s14, v1;
	[tilespmem:v22+s8+$0x0] =	vst.idx.msk vm5, v15;
	vm5 =	vlt.u32 v14, v2;
	v15 =	vsub.s32 v25, v0;
	v20 =	vld [tilespmem:s0+$0x60]  }
0x12e: {  	s14 =	sadd.s32 $0xFFFFFFE0, s13;
	v22 =	vor.u32 s20, v1;
	s20 =	sadd.s32 $0xFFFFFFD0, s13;
	v21 =	vld [tilespmem:s0+$0xFFFFFF80];
	[tilespmem:v24+s8+$0x0] =	vst.idx.msk vm6, v16;
	vm6 =	vlt.u32 v15, v2;
	v16 =	vsub.s32 v26, v0;
	s0 =	sadd.s32 $0x100, s0  }
0x12f: {  	_ =	sdelay $0x4  }
0x130: {  	[tilespmem:v11+s8+$0x0] =	vst.idx.msk vm1, v22;
	v11 =	vor.u32 s23, v1  }
0x131: {  	vm12 =	vlt.u32 v16, v2;
	v17 =	vsub.s32 v17, v0;
	[tilespmem:v9+s8+$0x0] =	vst.idx.msk vm0, v11;
	v9 =	vor.u32 s21, v1  }
0x132: {  	vm13 =	vlt.u32 v17, v2;
	v11 =	vsub.s32 v18, v0;
	[tilespmem:v10+s8+$0x0] =	vst.idx.msk vm2, v9;
	v9 =	vor.u32 s3, v1  }
0x133: {  	vm14 =	vlt.u32 v11, v2;
	v10 =	vsub.s32 v19, v0;
	[tilespmem:v12+s8+$0x0] =	vst.idx.msk vm3, v9;
	v9 =	vor.u32 s19, v1  }
0x134: {  	vm15 =	vlt.u32 v10, v2;
	v12 =	vsub.s32 v21, v0;
	[tilespmem:v13+s8+$0x0] =	vst.idx.msk vm4, v9;
	v9 =	vor.u32 s7, v1  }
0x135: {  	v13 =	vsub.s32 v20, v0;
	vm8 =	vlt.u32 v12, v2;
	[tilespmem:v14+s8+$0x0] =	vst.idx.msk vm5, v9;
	v9 =	vor.u32 s17, v1  }
0x136: {  	vm9 =	vlt.u32 v13, v2;
	[tilespmem:v15+s8+$0x0] =	vst.idx.msk vm6, v9;
	v9 =	vor.u32 s18, v1  }
0x137: {  	[tilespmem:v16+s8+$0x0] =	vst.idx.msk vm12, v9;
	v9 =	vor.u32 s16, v1  }
0x138: {  	[tilespmem:v17+s8+$0x0] =	vst.idx.msk vm13, v9;
	v9 =	vor.u32 s20, v1  }
0x139: {  	[tilespmem:v11+s8+$0x0] =	vst.idx.msk vm14, v9;
	v9 =	vor.u32 s14, v1  }
0x13a: {  	s0 =	sadd.s32 $0xFFFFFFF0, s13;
	[tilespmem:v10+s8+$0x0] =	vst.idx.msk vm15, v9  }
0x13b: {  	v9 =	vor.u32 s0, v1;
	[tilespmem:v12+s8+$0x0] =	vst.idx.msk vm8, v8  }
0x13c: {  	[tilespmem:v13+s8+$0x0] =	vst.idx.msk vm9, v9  }
0x13d: {  	v8 =	vld [tilespmem:$0x2700];
	_ =	sdelay $0x4  }
0x13e: {  	v8 =	vsub.s32 v8, v0  }
0x13f: {  	vm10 =	vlt.u32 v8, v2;
	_ =	sdelay $0x5  }
0x140: {  	[tilespmem:v8+s8+$0x0] =	vst.idx.msk vm10, v3  }
0x141: {  	[bflag:$0x0] =	sbarrier.arrive $0xFFFF  }
0x142: {  	s25 =	rddreg [dreg:$0x7]  }
0x143: {  	s28 =	simm.s32 $0x4;
	s26 =	rddreg [dreg:$0x8]  }
0x144: {  	[spmem:s25] =	stream.linear.scatter [tilespmem:s26], [sflag:$0x4], $0x7A30, $0x38;
	[tilespmem:$0x1E530] =	vst v63  }
0x145: {  	_ =	swait.ge [sflag:s28], $0x7A30  }
0x146: {  	[sflag:s28] =	ssyncset.done $0x0  }
0x147: {  	[sflag:s28] =	ssyncadd.s32 $0xFFFF85D0  }
0x148: {  	[bflag:$0x0] =	sbarrier.arrive $0xFFFF  }
0x149: {  	s29 =	rddreg [dreg:$0x9]  }
0x14a: {  	[tilespmem:s2], [sflag:$0x1] =	stream.linear.gather [spmem:s29], $0x2710, $0x38;
	[tilespmem:$0x1E530] =	vst v63  }
0x14b: {  	s15 =	simm.s32 $0x2780;
	s30 =	rddreg [dreg:$0x12]  }
0x14c: {  	[tilespmem:s15], [sflag:$0x2] =	stream.linear.gather [spmem:s30], $0x2710, $0x38;
	[tilespmem:$0x1E530] =	vst v63  }
0x14d: {  	_ =	swait.ge [sflag:s5], $0x2710  }
0x14e: {  	[sflag:s5] =	ssyncset.done $0x0  }
0x14f: {  	s31 =	rddreg [dreg:$0xe];
	[sflag:s5] =	ssyncadd.s32 $0xFFFFD8F0  }
0x150: {  	s14 =	rddreg [dreg:$0xf];
	v9 =	vld [tilespmem:s31+$0x0]  }
0x151: {  	s0 =	simm.s32 $0x40;
	v10 =	vld [tilespmem:s14+$0x30]  }
0x152: {  	v11 =	vld [tilespmem:s0+$0x30]  }
0x153: {  	v12 =	vld [tilespmem:s0+$0xFFFFFFC0]  }
0x154: {  	v13 =	vld [tilespmem:s14+$0xFFFFFFD0]  }
0x155: {  	v14 =	vld [tilespmem:s0+$0xFFFFFFD0]  }
0x156: {  	v15 =	vld [tilespmem:s14+$0xFFFFFFE0]  }
0x157: {  	v61 =	vld [tilespmem:s0+$0xFFFFFFE0]  }
0x158: {  	v62 =	vld [tilespmem:s14+$0xFFFFFFF0]  }
0x159: {  	v63 =	vld [tilespmem:s0+$0xFFFFFFF0]  }
0x15a: {  	v8 =	vld [tilespmem:s14+$0x0];
	vm11 =	vgt.s32 v10, v11  }
0x15b: {  	vm12 =	vgt.s32 v9, v12;
	v11 =	vsel vm11, v10, v11;
	v10 =	vld [tilespmem:s0+$0x0]  }
0x15c: {  	vm13 =	vgt.s32 v13, v14;
	v12 =	vsel vm12, v9, v12;
	v9 =	vld [tilespmem:s14+$0x10];
	[tilespmem:s14+$0x30] =	vst v11  }
0x15d: {  	vm14 =	vgt.s32 v15, v61;
	[tilespmem:s31+$0x0] =	vst v12;
	v11 =	vsel vm13, v13, v14;
	v12 =	vld [tilespmem:s0+$0x10]  }
0x15e: {  	vm15 =	vgt.s32 v62, v63;
	v13 =	vsel vm14, v15, v61;
	[tilespmem:s14+$0xFFFFFFD0] =	vst v11;
	v11 =	vld [tilespmem:s14+$0x20]  }
0x15f: {  	s7 =	simm.s32 $0x0;
	s13 =	sadd.s32 $0x80, s31;
	s3 =	smov.u32 s14;
	v14 =	vsel vm15, v62, v63;
	[tilespmem:s14+$0xFFFFFFE0] =	vst v13;
	v13 =	vld [tilespmem:s0+$0x20]  }
.LBB2_16:
0x160: {  	v15 =	vld [tilespmem:s13+$0x0];
	[tilespmem:s3+$0xFFFFFFF0] =	vst v14;
	vm0 =	vgt.s32 v8, v10;
	s14 =	sadd.s32 $0x80, s14  }
0x161: {  	s0 =	sadd.s32 $0x80, s0;
	v14 =	vld [tilespmem:s14+$0x30];
	v8 =	vsel vm0, v8, v10  }
0x162: {  	s7 =	sadd.s32 $0x8, s7;
	v10 =	vld [tilespmem:s0+$0x30];
	[tilespmem:s3+$0x0] =	vst v8;
	vm0 =	vgt.s32 v9, v12  }
0x163: {  	p3 =	slt.u32 s7, $0x268;
	v8 =	vld [tilespmem:s0+$0xFFFFFFC0];
	v9 =	vsel vm0, v9, v12  }
0x164: {  	v12 =	vld [tilespmem:s14+$0xFFFFFFD0];
	[tilespmem:s3+$0x10] =	vst v9;
	vm0 =	vgt.s32 v11, v13  }
0x165: {  	v9 =	vld [tilespmem:s0+$0xFFFFFFD0];
	v11 =	vsel vm0, v11, v13  }
0x166: {  	v13 =	vld [tilespmem:s14+$0xFFFFFFE0];
	[tilespmem:s3+$0x20] =	vst v11;
	s3 =	smov.u32 s14  }
0x167: {  	v11 =	vld [tilespmem:s0+$0xFFFFFFE0];
	vm0 =	vgt.s32 v14, v10  }
0x168: {  	vm1 =	vgt.s32 v15, v8;
	v16 =	vld [tilespmem:s14+$0xFFFFFFF0];
	v10 =	vsel vm0, v14, v10  }
0x169: {  	v8 =	vsel vm1, v15, v8;
	v14 =	vld [tilespmem:s0+$0xFFFFFFF0];
	[tilespmem:s14+$0x30] =	vst v10  }
0x16a: {  	[tilespmem:s13+$0x0] =	vst v8;
	vm0 =	vgt.s32 v12, v9;
	v8 =	vld [tilespmem:s14+$0x0]  }
.Ltmp7:
0x16b: {  	v9 =	vsel vm0, v12, v9;
	v10 =	vld [tilespmem:s0+$0x0];
	(pc) =	sbr.rel @p3 .LBB2_16-.Ltmp7, $4  }
0x16c: {  	[tilespmem:s14+$0xFFFFFFD0] =	vst v9;
	vm0 =	vgt.s32 v13, v11;
	v9 =	vld [tilespmem:s14+$0x10]  }
0x16d: {  	v11 =	vsel vm0, v13, v11;
	v12 =	vld [tilespmem:s0+$0x10]  }
0x16e: {  	[tilespmem:s14+$0xFFFFFFE0] =	vst v11;
	vm0 =	vgt.s32 v16, v14;
	v11 =	vld [tilespmem:s14+$0x20]  }
0x16f: {  	s13 =	sadd.s32 $0x80, s13;
	v14 =	vsel vm0, v16, v14;
	v13 =	vld [tilespmem:s0+$0x20]  }
0x170: {  	_ =	sdelay $0x1  }
0x171: {  	vm0 =	vgt.s32 v8, v10  }
0x172: {  	[tilespmem:s3+$0xFFFFFFF0] =	vst v14;
	v8 =	vsel vm0, v8, v10;
	vm8 =	vgt.s32 v9, v12  }
0x173: {  	[tilespmem:s3+$0x0] =	vst v8;
	v8 =	vsel vm8, v9, v12;
	vm9 =	vgt.s32 v11, v13  }
0x174: {  	[tilespmem:s3+$0x10] =	vst v8;
	v8 =	vsel vm9, v11, v13  }
0x175: {  	[tilespmem:s3+$0x20] =	vst v8  }
0x176: {  	s0 =	rddreg [dreg:$0xa];
	v9 =	vld [tilespmem:$0x2700]  }
0x177: {  	v8 =	vld [tilespmem:s0+$0x7680];
	_ =	sdelay $0x4  }
0x178: {  	vm10 =	vgt.s32 v8, v9  }
0x179: {  	v8 =	vsel vm10, v8, v9  }
0x17a: {  	s30 =	rddreg [dreg:$0x13];
	[tilespmem:s0+$0x7680] =	vst v8  }
0x17b: {  	[tilespmem:s2], [sflag:$0x1] =	stream.linear.gather [spmem:s30], $0x2710, $0x38;
	[tilespmem:$0x1E530] =	vst v63  }
0x17c: {  	_ =	swait.ge [sflag:s11], $0x2710  }
0x17d: {  	[sflag:s11] =	ssyncset.done $0x0  }
0x17e: {  	s31 =	rddreg [dreg:$0x10];
	[sflag:s11] =	ssyncadd.s32 $0xFFFFD8F0  }
0x17f: {  	s14 =	rddreg [dreg:$0x11];
	v9 =	vld [tilespmem:s31+$0x0]  }
0x180: {  	s0 =	simm.s32 $0x27C0;
	v10 =	vld [tilespmem:s14+$0x0]  }
0x181: {  	v11 =	vld [tilespmem:s0+$0x30]  }
0x182: {  	v12 =	vld [tilespmem:s0+$0xFFFFFFC0]  }
0x183: {  	v13 =	vld [tilespmem:s14+$0xFFFFFFA0]  }
0x184: {  	v14 =	vld [tilespmem:s0+$0xFFFFFFD0]  }
0x185: {  	v15 =	vld [tilespmem:s14+$0xFFFFFFB0]  }
0x186: {  	v16 =	vld [tilespmem:s0+$0xFFFFFFE0]  }
0x187: {  	v17 =	vld [tilespmem:s14+$0xFFFFFFC0]  }
0x188: {  	v18 =	vld [tilespmem:s0+$0xFFFFFFF0];
	vm11 =	vgt.s32 v10, v11  }
0x189: {  	v8 =	vld [tilespmem:s14+$0xFFFFFFD0];
	vm12 =	vgt.s32 v9, v12;
	v11 =	vsel vm11, v10, v11  }
0x18a: {  	vm13 =	vgt.s32 v13, v14;
	v10 =	vld [tilespmem:s0+$0x0];
	v12 =	vsel vm12, v9, v12;
	[tilespmem:s14+$0x0] =	vst v11  }
0x18b: {  	vm14 =	vgt.s32 v15, v16;
	v9 =	vld [tilespmem:s14+$0xFFFFFFE0];
	[tilespmem:s31+$0x0] =	vst v12;
	v11 =	vsel vm13, v13, v14  }
0x18c: {  	v12 =	vld [tilespmem:s0+$0x10];
	v13 =	vsel vm14, v15, v16;
	[tilespmem:s14+$0xFFFFFFA0] =	vst v11  }
0x18d: {  	s7 =	simm.s32 $0x0;
	vm15 =	vgt.s32 v17, v18;
	v11 =	vld [tilespmem:s14+$0xFFFFFFF0];
	[tilespmem:s14+$0xFFFFFFB0] =	vst v13  }
0x18e: {  	s13 =	sadd.s32 $0x80, s31;
	s3 =	smov.u32 s14;
	v14 =	vsel vm15, v17, v18;
	v13 =	vld [tilespmem:s0+$0x20];
	s17 =	rddreg [dreg:$0x5]  }
.LBB2_18:
0x18f: {  	v15 =	vld [tilespmem:s13+$0x0];
	[tilespmem:s3+$0xFFFFFFC0] =	vst v14;
	vm0 =	vgt.s32 v8, v10;
	s14 =	sadd.s32 $0x80, s14  }
0x190: {  	s0 =	sadd.s32 $0x80, s0;
	v14 =	vld [tilespmem:s14+$0x0];
	v8 =	vsel vm0, v8, v10  }
0x191: {  	s7 =	sadd.s32 $0x8, s7;
	v10 =	vld [tilespmem:s0+$0x30];
	[tilespmem:s3+$0xFFFFFFD0] =	vst v8;
	vm0 =	vgt.s32 v9, v12  }
0x192: {  	p3 =	slt.u32 s7, $0x268;
	v8 =	vld [tilespmem:s0+$0xFFFFFFC0];
	v9 =	vsel vm0, v9, v12  }
0x193: {  	v12 =	vld [tilespmem:s14+$0xFFFFFFA0];
	[tilespmem:s3+$0xFFFFFFE0] =	vst v9;
	vm0 =	vgt.s32 v11, v13  }
0x194: {  	v9 =	vld [tilespmem:s0+$0xFFFFFFD0];
	v11 =	vsel vm0, v11, v13  }
0x195: {  	v13 =	vld [tilespmem:s14+$0xFFFFFFB0];
	[tilespmem:s3+$0xFFFFFFF0] =	vst v11;
	s3 =	smov.u32 s14  }
0x196: {  	v11 =	vld [tilespmem:s0+$0xFFFFFFE0];
	vm0 =	vgt.s32 v14, v10  }
0x197: {  	vm1 =	vgt.s32 v15, v8;
	v16 =	vld [tilespmem:s14+$0xFFFFFFC0];
	v10 =	vsel vm0, v14, v10  }
0x198: {  	v8 =	vsel vm1, v15, v8;
	v14 =	vld [tilespmem:s0+$0xFFFFFFF0];
	[tilespmem:s14+$0x0] =	vst v10  }
0x199: {  	[tilespmem:s13+$0x0] =	vst v8;
	vm0 =	vgt.s32 v12, v9;
	v8 =	vld [tilespmem:s14+$0xFFFFFFD0]  }
.Ltmp8:
0x19a: {  	v9 =	vsel vm0, v12, v9;
	v10 =	vld [tilespmem:s0+$0x0];
	(pc) =	sbr.rel @p3 .LBB2_18-.Ltmp8, $4  }
0x19b: {  	[tilespmem:s14+$0xFFFFFFA0] =	vst v9;
	vm0 =	vgt.s32 v13, v11;
	v9 =	vld [tilespmem:s14+$0xFFFFFFE0]  }
0x19c: {  	v11 =	vsel vm0, v13, v11;
	v12 =	vld [tilespmem:s0+$0x10]  }
0x19d: {  	[tilespmem:s14+$0xFFFFFFB0] =	vst v11;
	vm0 =	vgt.s32 v16, v14;
	v11 =	vld [tilespmem:s14+$0xFFFFFFF0]  }
0x19e: {  	s13 =	sadd.s32 $0x80, s13;
	v14 =	vsel vm0, v16, v14;
	v13 =	vld [tilespmem:s0+$0x20]  }
0x19f: {  	_ =	sdelay $0x1  }
0x1a0: {  	vm0 =	vgt.s32 v8, v10  }
0x1a1: {  	[tilespmem:s3+$0xFFFFFFC0] =	vst v14;
	v8 =	vsel vm0, v8, v10;
	vm0 =	vgt.s32 v9, v12  }
0x1a2: {  	[tilespmem:s3+$0xFFFFFFD0] =	vst v8;
	v8 =	vsel vm0, v9, v12;
	vm0 =	vgt.s32 v11, v13  }
0x1a3: {  	[tilespmem:s3+$0xFFFFFFE0] =	vst v8;
	v8 =	vsel vm0, v11, v13  }
0x1a4: {  	[tilespmem:s3+$0xFFFFFFF0] =	vst v8  }
0x1a5: {  	v8 =	vld [tilespmem:s17+$0xC490]  }
0x1a6: {  	v9 =	vld [tilespmem:$0x4E80];
	_ =	sdelay $0x4  }
0x1a7: {  	vm0 =	vgt.s32 v8, v9  }
0x1a8: {  	v8 =	vsel vm0, v8, v9  }
0x1a9: {  	s0 =	rddreg [dreg:$0x14];
	[tilespmem:s17+$0xC490] =	vst v8  }
0x1aa: {  	[tilespmem:s15], [sflag:$0x2] =	stream.linear.gather [spmem:s0], $0x500, $0x38;
	[tilespmem:$0x1E530] =	vst v63  }
0x1ab: {  	_ =	swait.ge [sflag:s5], $0x2710  }
0x1ac: {  	[sflag:s5] =	ssyncset.done $0x0  }
0x1ad: {  	s0 =	simm.s32 $0x0;
	[sflag:s5] =	ssyncadd.s32 $0xFFFFD8F0  }
0x1ae: {  	v15 =	vld.idx.msk [tilespmem:v5+s0+$0x4E90 ss:$0x1], $0xffff  }
0x1af: {  	v16 =	vld [tilespmem:s0+$0x70]  }
0x1b0: {  	v14 =	vld.idx.msk [tilespmem:v4+s0+$0x0 ss:$0x1], $0xffff  }
0x1b1: {  	v13 =	vld.idx.msk [tilespmem:v5+s0+$0x4E30 ss:$0x1], $0xffff  }
0x1b2: {  	v12 =	vld.idx.msk [tilespmem:v5+s0+$0x4E40 ss:$0x1], $0xffff  }
0x1b3: {  	v11 =	vld.idx.msk [tilespmem:v5+s0+$0x4E50 ss:$0x1], $0xffff  }
0x1b4: {  	v10 =	vld.idx.msk [tilespmem:v5+s0+$0x4E60 ss:$0x1], $0xffff  }
0x1b5: {  	v9 =	vld.idx.msk [tilespmem:v5+s0+$0x4E70 ss:$0x1], $0xffff  }
0x1b6: {  	v8 =	vld.idx.msk [tilespmem:v5+s0+$0x4E80 ss:$0x1], $0xffff  }
0x1b7: {  	v20 =	vld [tilespmem:s0+$0x0]  }
0x1b8: {  	v19 =	vld [tilespmem:s0+$0x10]  }
0x1b9: {  	v18 =	vld [tilespmem:s0+$0x20]  }
0x1ba: {  	v17 =	vld [tilespmem:s0+$0x30];
	vm0 =	vgt.s32 v15, v16  }
0x1bb: {  	v15 =	vsel vm0, v15, v16;
	v16 =	vld [tilespmem:s0+$0x40]  }
0x1bc: {  	s7 =	simm.s32 $0x200;
	s3 =	simm.s32 $0x0;
	vm0 =	vgt.s32 v14, v20;
	[tilespmem:v5+s0+$0x4E90 ss:$0x1] =	vst.idx.msk $0xffff, v15;
	v15 =	vld [tilespmem:s0+$0x50]  }
.LBB2_20:
0x1bd: {  	s13 =	sshra.s32 s7, $0x2;
	s3 =	sadd.s32 $0x8, s3;
	v14 =	vsel vm0, v14, v20;
	vm0 =	vgt.s32 v13, v19;
	v20 =	vld [tilespmem:s0+$0x60]  }
0x1be: {  	v21 =	vld.idx.msk [tilespmem:v5+s13+$0x4E90 ss:$0x1], $0xffff;
	p3 =	slt.u32 s3, $0x268;
	[tilespmem:v4+s0+$0x0 ss:$0x1] =	vst.idx.msk $0xffff, v14;
	v13 =	vsel vm0, v13, v19;
	vm0 =	vgt.s32 v12, v18  }
0x1bf: {  	v19 =	vld [tilespmem:s13+$0x70];
	[tilespmem:v5+s0+$0x4E30 ss:$0x1] =	vst.idx.msk $0xffff, v13;
	v12 =	vsel vm0, v12, v18;
	vm0 =	vgt.s32 v11, v17  }
0x1c0: {  	v14 =	vld.idx.msk [tilespmem:v4+s13+$0x0 ss:$0x1], $0xffff;
	[tilespmem:v5+s0+$0x4E40 ss:$0x1] =	vst.idx.msk $0xffff, v12;
	v11 =	vsel vm0, v11, v17;
	vm0 =	vgt.s32 v10, v16  }
0x1c1: {  	v13 =	vld.idx.msk [tilespmem:v5+s13+$0x4E30 ss:$0x1], $0xffff;
	[tilespmem:v5+s0+$0x4E50 ss:$0x1] =	vst.idx.msk $0xffff, v11;
	v10 =	vsel vm0, v10, v16;
	vm0 =	vgt.s32 v9, v15  }
0x1c2: {  	v12 =	vld.idx.msk [tilespmem:v5+s13+$0x4E40 ss:$0x1], $0xffff;
	[tilespmem:v5+s0+$0x4E60 ss:$0x1] =	vst.idx.msk $0xffff, v10;
	v9 =	vsel vm0, v9, v15;
	vm0 =	vgt.s32 v8, v20  }
0x1c3: {  	v11 =	vld.idx.msk [tilespmem:v5+s13+$0x4E50 ss:$0x1], $0xffff;
	[tilespmem:v5+s0+$0x4E70 ss:$0x1] =	vst.idx.msk $0xffff, v9;
	v8 =	vsel vm0, v8, v20  }
0x1c4: {  	v10 =	vld.idx.msk [tilespmem:v5+s13+$0x4E60 ss:$0x1], $0xffff;
	vm0 =	vgt.s32 v21, v19;
	[tilespmem:v5+s0+$0x4E80 ss:$0x1] =	vst.idx.msk $0xffff, v8;
	s0 =	smov.u32 s13  }
0x1c5: {  	v9 =	vld.idx.msk [tilespmem:v5+s0+$0x4E70 ss:$0x1], $0xffff;
	v15 =	vsel vm0, v21, v19  }
0x1c6: {  	v8 =	vld.idx.msk [tilespmem:v5+s0+$0x4E80 ss:$0x1], $0xffff;
	[tilespmem:v5+s0+$0x4E90 ss:$0x1] =	vst.idx.msk $0xffff, v15  }
0x1c7: {  	v20 =	vld [tilespmem:s0+$0x0]  }
.Ltmp9:
0x1c8: {  	v19 =	vld [tilespmem:s0+$0x10];
	(pc) =	sbr.rel @p3 .LBB2_20-.Ltmp9, $4  }
0x1c9: {  	v18 =	vld [tilespmem:s0+$0x20]  }
0x1ca: {  	v17 =	vld [tilespmem:s0+$0x30]  }
0x1cb: {  	v16 =	vld [tilespmem:s0+$0x40]  }
0x1cc: {  	s7 =	sadd.s32 $0x200, s7;
	vm0 =	vgt.s32 v14, v20;
	v15 =	vld [tilespmem:s0+$0x50]  }
0x1cd: {  	_ =	sdelay $0x2  }
0x1ce: {  	v14 =	vsel vm0, v14, v20;
	vm0 =	vgt.s32 v13, v19;
	v20 =	vld [tilespmem:s0+$0x60]  }
0x1cf: {  	[tilespmem:v4+s0+$0x0 ss:$0x1] =	vst.idx.msk $0xffff, v14;
	v13 =	vsel vm0, v13, v19;
	vm0 =	vgt.s32 v12, v18  }
0x1d0: {  	[tilespmem:v5+s0+$0x4E30 ss:$0x1] =	vst.idx.msk $0xffff, v13;
	v12 =	vsel vm0, v12, v18;
	vm0 =	vgt.s32 v11, v17  }
0x1d1: {  	[tilespmem:v5+s0+$0x4E40 ss:$0x1] =	vst.idx.msk $0xffff, v12;
	v11 =	vsel vm0, v11, v17;
	vm0 =	vgt.s32 v10, v16  }
0x1d2: {  	[tilespmem:v5+s0+$0x4E50 ss:$0x1] =	vst.idx.msk $0xffff, v11;
	v10 =	vsel vm0, v10, v16;
	vm0 =	vgt.s32 v9, v15  }
0x1d3: {  	[tilespmem:v5+s0+$0x4E60 ss:$0x1] =	vst.idx.msk $0xffff, v10;
	v9 =	vsel vm0, v9, v15;
	vm0 =	vgt.s32 v8, v20  }
0x1d4: {  	[tilespmem:v5+s0+$0x4E70 ss:$0x1] =	vst.idx.msk $0xffff, v9;
	v8 =	vsel vm0, v8, v20  }
0x1d5: {  	[tilespmem:v5+s0+$0x4E80 ss:$0x1] =	vst.idx.msk $0xffff, v8  }
0x1d6: {  	v8 =	vld [tilespmem:s17+$0xEBA0]  }
0x1d7: {  	v9 =	vld [tilespmem:$0x2700];
	_ =	sdelay $0x4  }
0x1d8: {  	vm0 =	vgt.s32 v8, v9  }
0x1d9: {  	v8 =	vsel vm0, v8, v9  }
0x1da: {  	[tilespmem:s17+$0xEBA0] =	vst v8  }
0x1db: {  	_ =	swait.ge [sflag:s11], $0x500  }
0x1dc: {  	[sflag:s11] =	ssyncset.done $0x0  }
0x1dd: {  	s0 =	simm.s32 $0x0;
	[sflag:s11] =	ssyncadd.s32 $0xFFFFFB00  }
0x1de: {  	v15 =	vld.idx.msk [tilespmem:v5+s0+$0x75A0 ss:$0x1], $0xffff  }
0x1df: {  	v16 =	vld [tilespmem:s0+$0x27F0]  }
0x1e0: {  	v14 =	vld.idx.msk [tilespmem:v6+s0+$0x0 ss:$0x1], $0xffff  }
0x1e1: {  	v13 =	vld.idx.msk [tilespmem:v5+s0+$0x7540 ss:$0x1], $0xffff  }
0x1e2: {  	v12 =	vld.idx.msk [tilespmem:v5+s0+$0x7550 ss:$0x1], $0xffff  }
0x1e3: {  	v11 =	vld.idx.msk [tilespmem:v5+s0+$0x7560 ss:$0x1], $0xffff  }
0x1e4: {  	v10 =	vld.idx.msk [tilespmem:v5+s0+$0x7570 ss:$0x1], $0xffff  }
0x1e5: {  	v9 =	vld.idx.msk [tilespmem:v5+s0+$0x7580 ss:$0x1], $0xffff  }
0x1e6: {  	v8 =	vld.idx.msk [tilespmem:v5+s0+$0x7590 ss:$0x1], $0xffff  }
0x1e7: {  	v20 =	vld [tilespmem:s0+$0x2780]  }
0x1e8: {  	v19 =	vld [tilespmem:s0+$0x2790]  }
0x1e9: {  	v18 =	vld [tilespmem:s0+$0x27A0]  }
0x1ea: {  	v17 =	vld [tilespmem:s0+$0x27B0];
	vm0 =	vgt.s32 v15, v16  }
0x1eb: {  	v15 =	vsel vm0, v15, v16;
	v16 =	vld [tilespmem:s0+$0x27C0]  }
0x1ec: {  	s3 =	simm.s32 $0x0;
	s7 =	simm.s32 $0x200;
	vm0 =	vgt.s32 v14, v20;
	[tilespmem:v5+s0+$0x75A0 ss:$0x1] =	vst.idx.msk $0xffff, v15;
	v15 =	vld [tilespmem:s0+$0x27D0]  }
.LBB2_22:
0x1ed: {  	s13 =	sshra.s32 s7, $0x2;
	s3 =	sadd.s32 $0x8, s3;
	v14 =	vsel vm0, v14, v20;
	vm0 =	vgt.s32 v13, v19;
	v20 =	vld [tilespmem:s0+$0x27E0]  }
0x1ee: {  	v21 =	vld.idx.msk [tilespmem:v5+s13+$0x75A0 ss:$0x1], $0xffff;
	p3 =	slt.u32 s3, $0x48;
	[tilespmem:v6+s0+$0x0 ss:$0x1] =	vst.idx.msk $0xffff, v14;
	v13 =	vsel vm0, v13, v19;
	vm0 =	vgt.s32 v12, v18  }
0x1ef: {  	v19 =	vld [tilespmem:s13+$0x27F0];
	[tilespmem:v5+s0+$0x7540 ss:$0x1] =	vst.idx.msk $0xffff, v13;
	v12 =	vsel vm0, v12, v18;
	vm0 =	vgt.s32 v11, v17  }
0x1f0: {  	v14 =	vld.idx.msk [tilespmem:v6+s13+$0x0 ss:$0x1], $0xffff;
	[tilespmem:v5+s0+$0x7550 ss:$0x1] =	vst.idx.msk $0xffff, v12;
	v11 =	vsel vm0, v11, v17;
	vm0 =	vgt.s32 v10, v16  }
0x1f1: {  	v13 =	vld.idx.msk [tilespmem:v5+s13+$0x7540 ss:$0x1], $0xffff;
	[tilespmem:v5+s0+$0x7560 ss:$0x1] =	vst.idx.msk $0xffff, v11;
	v10 =	vsel vm0, v10, v16;
	vm0 =	vgt.s32 v9, v15  }
0x1f2: {  	v12 =	vld.idx.msk [tilespmem:v5+s13+$0x7550 ss:$0x1], $0xffff;
	[tilespmem:v5+s0+$0x7570 ss:$0x1] =	vst.idx.msk $0xffff, v10;
	v9 =	vsel vm0, v9, v15;
	vm0 =	vgt.s32 v8, v20  }
0x1f3: {  	v11 =	vld.idx.msk [tilespmem:v5+s13+$0x7560 ss:$0x1], $0xffff;
	[tilespmem:v5+s0+$0x7580 ss:$0x1] =	vst.idx.msk $0xffff, v9;
	v8 =	vsel vm0, v8, v20  }
0x1f4: {  	v10 =	vld.idx.msk [tilespmem:v5+s13+$0x7570 ss:$0x1], $0xffff;
	vm0 =	vgt.s32 v21, v19;
	[tilespmem:v5+s0+$0x7590 ss:$0x1] =	vst.idx.msk $0xffff, v8;
	s0 =	smov.u32 s13  }
0x1f5: {  	v9 =	vld.idx.msk [tilespmem:v5+s0+$0x7580 ss:$0x1], $0xffff;
	v15 =	vsel vm0, v21, v19  }
0x1f6: {  	v8 =	vld.idx.msk [tilespmem:v5+s0+$0x7590 ss:$0x1], $0xffff;
	[tilespmem:v5+s0+$0x75A0 ss:$0x1] =	vst.idx.msk $0xffff, v15  }
0x1f7: {  	v20 =	vld [tilespmem:s0+$0x2780]  }
.Ltmp10:
0x1f8: {  	v19 =	vld [tilespmem:s0+$0x2790];
	(pc) =	sbr.rel @p3 .LBB2_22-.Ltmp10, $4  }
0x1f9: {  	v18 =	vld [tilespmem:s0+$0x27A0]  }
0x1fa: {  	v17 =	vld [tilespmem:s0+$0x27B0]  }
0x1fb: {  	v16 =	vld [tilespmem:s0+$0x27C0]  }
0x1fc: {  	s7 =	sadd.s32 $0x200, s7;
	vm0 =	vgt.s32 v14, v20;
	v15 =	vld [tilespmem:s0+$0x27D0]  }
0x1fd: {  	_ =	sdelay $0x2  }
0x1fe: {  	v14 =	vsel vm0, v14, v20;
	vm10 =	vgt.s32 v13, v19;
	v63 =	vld [tilespmem:s0+$0x27E0]  }
0x1ff: {  	[tilespmem:v6+s0+$0x0 ss:$0x1] =	vst.idx.msk $0xffff, v14;
	v13 =	vsel vm10, v13, v19;
	vm11 =	vgt.s32 v12, v18  }
0x200: {  	[tilespmem:v5+s0+$0x7540 ss:$0x1] =	vst.idx.msk $0xffff, v13;
	v12 =	vsel vm11, v12, v18;
	vm12 =	vgt.s32 v11, v17  }
0x201: {  	[tilespmem:v5+s0+$0x7550 ss:$0x1] =	vst.idx.msk $0xffff, v12;
	v11 =	vsel vm12, v11, v17;
	vm13 =	vgt.s32 v10, v16  }
0x202: {  	[tilespmem:v5+s0+$0x7560 ss:$0x1] =	vst.idx.msk $0xffff, v11;
	v10 =	vsel vm13, v10, v16;
	vm14 =	vgt.s32 v9, v15  }
0x203: {  	[tilespmem:v5+s0+$0x7570 ss:$0x1] =	vst.idx.msk $0xffff, v10;
	v9 =	vsel vm14, v9, v15;
	vm15 =	vgt.s32 v8, v63  }
0x204: {  	[tilespmem:v5+s0+$0x7580 ss:$0x1] =	vst.idx.msk $0xffff, v9;
	v8 =	vsel vm15, v8, v63  }
0x205: {  	[tilespmem:v5+s0+$0x7590 ss:$0x1] =	vst.idx.msk $0xffff, v8  }
0x206: {  	s3 =	simm.s32 @!p1 $0x7680;
	s0 =	simm.s32 @!p1 $0x0;
	s7 =	rddreg [dreg:$0xb]  }
0x207: {  	[hbm4b:s7+s0] =	stream.linear.scatter @!p1 [tilespmem:s3], [sflag:$0x4], $0x7A30, $0x38;
	[tilespmem:$0x1E530] =	vst v63  }
0x208: {  	s0 =	simm.s32 @!p1 $0x4  }
0x209: {  	_ =	swait.ge @!p1 [sflag:s0], $0x7A30  }
0x20a: {  	s3 =	simm.s32 @!p2 $0xF0B0;
	[sflag:s0] =	ssyncset.done @!p1 $0x0  }
0x20b: {  	s7 =	rddreg [dreg:$0x15];
	[sflag:s0] =	ssyncadd.s32 @!p1 $0xFFFF85D0;
	s0 =	simm.s32 @!p2 $0x0  }
0x20c: {  	[hbm4b:s7+s0] =	stream.linear.scatter @!p2 [tilespmem:s3], [sflag:$0x4], $0x79F0, $0x38;
	[tilespmem:$0x1E530] =	vst v63  }
0x20d: {  	s0 =	simm.s32 @!p2 $0x4  }
0x20e: {  	_ =	swait.ge @!p2 [sflag:s0], $0x79F0  }
0x20f: {  	s3 =	simm.s32 @p0 $0xF0B0;
	[sflag:s0] =	ssyncset.done @!p2 $0x0  }
0x210: {  	s7 =	rddreg [dreg:$0xc];
	[sflag:s0] =	ssyncadd.s32 @!p2 $0xFFFF8610;
	s0 =	simm.s32 @p0 $0x0  }
0x211: {  	[hbm4b:s7+s0] =	stream.linear.scatter @p0 [tilespmem:s3], [sflag:$0x4], $0x7A30, $0x38;
	[tilespmem:$0x1E530] =	vst v63  }
0x212: {  	s0 =	simm.s32 @p0 $0x4  }
0x213: {  	_ =	swait.ge @p0 [sflag:s0], $0x7A30  }
0x214: {  	s30 =	rddreg [dreg:$0x1a]  }
0x215: {  	s31 =	rddreg [dreg:$0xd];
	s7 =	sadd.s32 $0x1, s30  }
0x216: {  	p3 =	sne.s32 s7, s31  }
.Ltmp11:
0x217: {  	_ = 	snop;
	(pc) =	sbr.rel @p3 .LBB2_1-.Ltmp11, $3  }
0x218: {  	_ =	sdelay $0x1  }
0x219: {  	[sflag:s0] =	ssyncset.done @p0 $0x0  }
0x21a: {  	[sflag:s0] =	ssyncadd.s32 @p0 $0xFFFF85D0  }
0x21b: {  	_ =	sfence.sel $0x180000  }
0x21c: {  	[bflag:$0x0] =	sbarrier.arrive $0xFFFF  }
0x21d: {  	_ =	strace $0x90000047  }
0x21e: {  	s0 =	stileid.u32;
	[bflag:$0x2] =	sbarrier.arrive $0xFFFF  }
0x21f: {  	p0 =	sne.s32 s0, $0x0;
	s0 =	rddreg [dreg:$0x3]  }
0x220: {  	s0 =	sadd.s32 @!p0 $0x100000, s0  }
0x221: {  	[sflag:s0] =	ssyncadd.tile.s32 @!p0 $0x1;
	_ =	shalt  }
.Lfunc_end2:
_tile_overlayer_lowered:
.L_overlay_start_2:
0x222: {  	(tag) =	ssettag $0x2  }
0x223: {  	s0 =	rddreg [dreg:$0x0];
	s2 =	stileid.u32  }
0x224: {  	s1 =	rddreg [dreg:$0x1];
	p0 =	sne.s32 s2, $0x0  }
0x225: {  	s3 =	rddreg [dreg:$0x2];
	[bflag:$0x3] =	sbarrier.arrive $0xFFFF;
	s2 =	simm.s32 @!p0 $0x1C04  }
0x226: {  	[timem:s3], [sflag:s2] =	dma.local @!p0 [hbm:s0], s1  }
0x227: {  	s0 =	simm.s32 @!p0 $0x4  }
0x228: {  	_ =	swait.ge @!p0 [sflag:s0], s1  }
0x229: {  	s1 =	ssub.s32 @!p0 $0x0, s1;
	[sflag:s0] =	ssyncset.done @!p0 $0x0  }
0x22a: {  	[sflag:s0] =	ssyncadd.s32 @!p0 s1  }
0x22b: {  	[bflag:$0x3] =	sbarrier.arrive $0xFFFF  }
0x22c: {  	_ =	shalt  }

</sc_bundles>
